<compile_context>
chip_gen: v7x
topology: tpu7x:2x2x1
jax: 0.10.2.dev20260603
libtpu: 0.0.44.dev20260713+nightly
codegen_flags: <defaults>
</compile_context>

<pallas_src>
import functools

import jax
import jax.numpy as jnp
from jax import lax
from jax.experimental import pallas as pl
from jax.experimental.pallas import tpu as pltpu
from jax.experimental.pallas import tpu_sc as plsc

_B, _S, _D = 4, 4096, 1024
_SSC = 512
_S0 = _S - _SSC
_BS = 1792

_NC, _NS = 2, 16
_NW = _NC * _NS
_WPB = _NW // _B
_ROWS_W = _SSC // _WPB
_CH = 16
_NCHUNK = _ROWS_W // _CH
_NBUF = 3
_UNROLL = 16
_L = 16
_CD = _CH * _D


def _add_body(x_ref, pe_ref, o_ref):
    o_ref[...] = x_ref[...] + pe_ref[...][None]


def _tc_add(x, pe_table):
    grid = (_S0 // _BS, _B)
    return pl.pallas_call(
        _add_body,
        grid=grid,
        in_specs=[
            pl.BlockSpec((1, _BS, _D), lambda s, b: (b, s, 0)),
            pl.BlockSpec((_BS, _D), lambda s, b: (s, 0)),
        ],
        out_specs=pl.BlockSpec((1, _BS, _D), lambda s, b: (b, s, 0)),
        out_shape=jax.ShapeDtypeStruct((_B, _S, _D), x.dtype),
        compiler_params=pltpu.CompilerParams(
            dimension_semantics=("arbitrary", "arbitrary"),
        ),
    )(x, pe_table)


def _sc_body(x_hbm, pe_hbm, o_hbm, xbufs, pebufs, xsems, psems, osems):
    c = lax.axis_index("c")
    s = lax.axis_index("s")
    wid = s * _NC + c
    b = wid // _WPB
    s_loc = (wid % _WPB) * _ROWS_W
    x_base = b * _S + _S0 + s_loc
    pe_base = _S0 + s_loc
    o_base = b * _SSC + s_loc

    def in_copies(i):
        sl = i % _NBUF
        return (
            pltpu.make_async_copy(
                x_hbm.at[pl.ds((x_base + i * _CH) * _D, _CD)], xbufs[sl], xsems[sl]),
            pltpu.make_async_copy(
                pe_hbm.at[pl.ds((pe_base + i * _CH) * _D, _CD)], pebufs[sl], psems[sl]),
        )

    def out_copy(i):
        sl = i % _NBUF
        return pltpu.make_async_copy(
            xbufs[sl], o_hbm.at[pl.ds((o_base + i * _CH) * _D, _CD)], osems[sl])

    for cp in in_copies(0) + in_copies(1):
        cp.start()

    for i in range(_NCHUNK):
        sl = i % _NBUF
        for cp in in_copies(i):
            cp.wait()
        if i + 2 < _NCHUNK:
            if i >= 1:
                out_copy(i - 1).wait()
            for cp in in_copies(i + 2):
                cp.start()

        xv = xbufs[sl]
        pv = pebufs[sl]

        def vec(j, carry):
            base = j * (_L * _UNROLL)
            for u in range(_UNROLL):
                ds = pl.ds(base + u * _L, _L)
                xv[ds] = xv[ds] + pv[ds]
            return carry

        lax.fori_loop(0, _CD // (_L * _UNROLL), vec, 0)
        out_copy(i).start()

    for i in range(max(0, _NCHUNK - 3), _NCHUNK):
        out_copy(i).wait()


@functools.partial(
    pl.kernel,
    out_type=jax.ShapeDtypeStruct((_B * _SSC * _D,), jnp.float32),
    mesh=plsc.VectorSubcoreMesh(core_axis_name="c", subcore_axis_name="s"),
    scratch_types=[
        [pltpu.VMEM((_CD,), jnp.float32)] * _NBUF,
        [pltpu.VMEM((_CD,), jnp.float32)] * _NBUF,
        [pltpu.SemaphoreType.DMA] * _NBUF,
        [pltpu.SemaphoreType.DMA] * _NBUF,
        [pltpu.SemaphoreType.DMA] * _NBUF,
    ],
)
def _sc_kernel(x_hbm, pe_hbm, o_hbm, xbufs, pebufs, xsems, psems, osems):
    _sc_body(x_hbm, pe_hbm, o_hbm, xbufs, pebufs, xsems, psems, osems)


def kernel(x, pe_table):
    B, S, D = x.shape
    tc_out = _tc_add(x, pe_table)
    sc_out = _sc_kernel(x.reshape(-1), pe_table[:S].reshape(-1))
    return lax.dynamic_update_slice(
        tc_out, sc_out.reshape(B, _SSC, D), (0, _S0, 0))

# --- scband reference (transcript-rebuilt; emitter-appended) ---
"""Pipeline reference for scband-learned-positional-encoding-6107443495518 (READ-ONLY COPY).

The authoritative reference and input builder live on the scoring server;
editing this copy changes nothing except your own understanding.
"""

import jax, jax.numpy as jnp
import numpy as np

D_MODEL = 1024
MAX_SEQ_LEN = 4096
BATCH = 4
SEQ_LEN = 4096

def setup_inputs(seed: int = 0) -> dict:
    key = jax.random.key(seed)
    k1, k2 = jax.random.split(key)
    x = jax.random.normal(k1, (BATCH, SEQ_LEN, D_MODEL), dtype=jnp.float32)
    # learned positional embedding table (nn.Embedding default init: N(0,1))
    pe_table = jax.random.normal(k2, (MAX_SEQ_LEN, D_MODEL), dtype=jnp.float32)
    return {"x": x, "pe_table": pe_table}

def reference(x, pe_table):
    # forward of LearnedPositionalEncoding (dropout is identity in eval mode)
    seq_len = x.shape[1]
    positions = jnp.arange(seq_len)  # [S]
    pe = jnp.take(pe_table, positions, axis=0)  # [S, D] embedding lookup
    out = x + pe[None, :, :]
    return out

if __name__ == "__main__":
    import jax
    _d = setup_inputs()
    print(jax.jit(kernel)(*tuple(_d.values())))

</pallas_src>

<mosaic_0001>
#map = affine_map<(d0, d1) -> (0)>
module attributes {stable_mosaic.version = 14 : i64} {
  func.func @_sc_kernel(%arg0: i32, %arg1: i32, %arg2: memref<16777216xf32, #tpu.memory_space<hbm>>, %arg3: memref<4194304xf32, #tpu.memory_space<hbm>>, %arg4: memref<2097152xf32, #tpu.memory_space<hbm>>, %arg5: memref<16384xf32, #tpu.memory_space<vmem>>, %arg6: memref<16384xf32, #tpu.memory_space<vmem>>, %arg7: memref<16384xf32, #tpu.memory_space<vmem>>, %arg8: memref<16384xf32, #tpu.memory_space<vmem>>, %arg9: memref<16384xf32, #tpu.memory_space<vmem>>, %arg10: memref<16384xf32, #tpu.memory_space<vmem>>, %arg11: memref<!tpu.dma_semaphore, #tpu.memory_space<semaphore_mem>>, %arg12: memref<!tpu.dma_semaphore, #tpu.memory_space<semaphore_mem>>, %arg13: memref<!tpu.dma_semaphore, #tpu.memory_space<semaphore_mem>>, %arg14: memref<!tpu.dma_semaphore, #tpu.memory_space<semaphore_mem>>, %arg15: memref<!tpu.dma_semaphore, #tpu.memory_space<semaphore_mem>>, %arg16: memref<!tpu.dma_semaphore, #tpu.memory_space<semaphore_mem>>, %arg17: memref<!tpu.dma_semaphore, #tpu.memory_space<semaphore_mem>>, %arg18: memref<!tpu.dma_semaphore, #tpu.memory_space<semaphore_mem>>, %arg19: memref<!tpu.dma_semaphore, #tpu.memory_space<semaphore_mem>>) attributes {dimension_semantics = [#tpu.dimension_semantics<core_parallel>, #tpu.dimension_semantics<subcore_parallel>], iteration_bounds = array<i64: 2, 16>, scalar_prefetch = 0 : i64, scratch_operands = 15 : i64, tpu.core_type = #tpu.core_type<sc_vector_subcore>, window_params = [{transform_indices = #map}, {transform_indices = #map}, {transform_indices = #map}]} {
    %mul3A = arith.constant 2 : i32
    %mul3A_0 = arith.muli %arg1, %mul3A : i32
    %add3A = arith.addi %mul3A_0, %arg0 : i32
    %jit3A = arith.constant 8 : i32
    %div3A = arith.divsi %add3A, %jit3A : i32
    %sign3A = arith.constant 0 : i32
    %sign3A_1 = arith.cmpi sgt, %add3A, %sign3A : i32
    %sign3A_2 = arith.extui %sign3A_1 : i1 to i32
    %sign3A_3 = arith.constant 0 : i32
    %sign3A_4 = arith.cmpi slt, %add3A, %sign3A_3 : i32
    %sign3A_5 = arith.extui %sign3A_4 : i1 to i32
    %sign3A_6 = arith.subi %sign3A_2, %sign3A_5 : i32
    %sign3A_7 = arith.constant 0 : i32
    %sign3A_8 = arith.cmpi sgt, %jit3A, %sign3A_7 : i32
    %sign3A_9 = arith.extui %sign3A_8 : i1 to i32
    %sign3A_10 = arith.constant 0 : i32
    %sign3A_11 = arith.cmpi slt, %jit3A, %sign3A_10 : i32
    %sign3A_12 = arith.extui %sign3A_11 : i1 to i32
    %sign3A_13 = arith.subi %sign3A_9, %sign3A_12 : i32
    %ne3A = arith.cmpi ne, %sign3A_6, %sign3A_13 : i32
    %rem3A = arith.remsi %add3A, %jit3A : i32
    %ne3A_14 = arith.constant 0 : i32
    %ne3A_15 = arith.cmpi ne, %rem3A, %ne3A_14 : i32
    %and3A = arith.andi %ne3A, %ne3A_15 : i1
    %sub3A = arith.constant 1 : i32
    %sub3A_16 = arith.subi %div3A, %sub3A : i32
    %select_n3A = arith.select %and3A, %sub3A_16, %div3A : i32
    %jit3A_17 = arith.constant 8 : i32
    %eq3A = arith.constant 0 : i32
    %eq3A_18 = arith.cmpi eq, %jit3A_17, %eq3A : i32
    %jit3A_19 = arith.constant 1 : i32
    %select_n3A_20 = arith.select %eq3A_18, %jit3A_19, %jit3A_17 : i32
    %rem3A_21 = arith.remsi %add3A, %select_n3A_20 : i32
    %ne3A_22 = arith.constant 0 : i32
    %ne3A_23 = arith.cmpi ne, %rem3A_21, %ne3A_22 : i32
    %lt3A = arith.constant 0 : i32
    %lt3A_24 = arith.cmpi slt, %rem3A_21, %lt3A : i32
    %lt3A_25 = arith.constant 0 : i32
    %lt3A_26 = arith.cmpi slt, %select_n3A_20, %lt3A_25 : i32
    %ne3A_27 = arith.xori %lt3A_24, %lt3A_26 : i1
    %and3A_28 = arith.andi %ne3A_27, %ne3A_23 : i1
    %add3A_29 = arith.addi %rem3A_21, %select_n3A_20 : i32
    %select_n3A_30 = arith.select %and3A_28, %add3A_29, %rem3A_21 : i32
    %mul3A_31 = arith.constant 64 : i32
    %mul3A_32 = arith.muli %select_n3A_30, %mul3A_31 : i32
    %mul3A_33 = arith.constant 4096 : i32
    %mul3A_34 = arith.muli %select_n3A, %mul3A_33 : i32
    %add3A_35 = arith.constant 3584 : i32
    %add3A_36 = arith.addi %mul3A_34, %add3A_35 : i32
    %add3A_37 = arith.addi %add3A_36, %mul3A_32 : i32
    %add3A_38 = arith.constant 3584 : i32
    %add3A_39 = arith.addi %add3A_38, %mul3A_32 : i32
    %mul3A_40 = arith.constant 512 : i32
    %mul3A_41 = arith.muli %select_n3A, %mul3A_40 : i32
    %add3A_42 = arith.addi %mul3A_41, %mul3A_32 : i32
    %add3A_43 = arith.constant 0 : i32
    %add3A_44 = arith.addi %add3A_37, %add3A_43 : i32
    %mul3A_45 = arith.constant 1024 : i32
    %mul3A_46 = arith.muli %add3A_44, %mul3A_45 : i32
    %add3A_47 = arith.constant 0 : i32
    %add3A_48 = arith.addi %add3A_39, %add3A_47 : i32
    %mul3A_49 = arith.constant 1024 : i32
    %mul3A_50 = arith.muli %add3A_48, %mul3A_49 : i32
    %add3A_51 = arith.constant 16 : i32
    %add3A_52 = arith.addi %add3A_37, %add3A_51 : i32
    %mul3A_53 = arith.constant 1024 : i32
    %mul3A_54 = arith.muli %add3A_52, %mul3A_53 : i32
    %add3A_55 = arith.constant 16 : i32
    %add3A_56 = arith.addi %add3A_39, %add3A_55 : i32
    %mul3A_57 = arith.constant 1024 : i32
    %mul3A_58 = arith.muli %add3A_56, %mul3A_57 : i32
    %dma_start3A = tpu.memref_slice %arg2[%mul3A_46] : memref<16777216xf32, #tpu.memory_space<hbm>> -> memref<16384xf32, #tpu.memory_space<hbm>>
    %dma_start3A_59 = tpu.memref_slice %arg2[%mul3A_46] : memref<16777216xf32, #tpu.memory_space<hbm>> -> memref<16384xf32, #tpu.memory_space<hbm>>
    tpu.enqueue_dma source(%dma_start3A_59 : memref<16384xf32, #tpu.memory_space<hbm>>) target(%arg5 : memref<16384xf32, #tpu.memory_space<vmem>>) target_semaphore(%arg11 : memref<!tpu.dma_semaphore, #tpu.memory_space<semaphore_mem>>)
    %dma_start3A_60 = tpu.memref_slice %arg3[%mul3A_50] : memref<4194304xf32, #tpu.memory_space<hbm>> -> memref<16384xf32, #tpu.memory_space<hbm>>
    %dma_start3A_61 = tpu.memref_slice %arg3[%mul3A_50] : memref<4194304xf32, #tpu.memory_space<hbm>> -> memref<16384xf32, #tpu.memory_space<hbm>>
    tpu.enqueue_dma source(%dma_start3A_61 : memref<16384xf32, #tpu.memory_space<hbm>>) target(%arg8 : memref<16384xf32, #tpu.memory_space<vmem>>) target_semaphore(%arg14 : memref<!tpu.dma_semaphore, #tpu.memory_space<semaphore_mem>>)
    %dma_start3A_62 = tpu.memref_slice %arg2[%mul3A_54] : memref<16777216xf32, #tpu.memory_space<hbm>> -> memref<16384xf32, #tpu.memory_space<hbm>>
    %dma_start3A_63 = tpu.memref_slice %arg2[%mul3A_54] : memref<16777216xf32, #tpu.memory_space<hbm>> -> memref<16384xf32, #tpu.memory_space<hbm>>
    tpu.enqueue_dma source(%dma_start3A_63 : memref<16384xf32, #tpu.memory_space<hbm>>) target(%arg6 : memref<16384xf32, #tpu.memory_space<vmem>>) target_semaphore(%arg12 : memref<!tpu.dma_semaphore, #tpu.memory_space<semaphore_mem>>)
    %dma_start3A_64 = tpu.memref_slice %arg3[%mul3A_58] : memref<4194304xf32, #tpu.memory_space<hbm>> -> memref<16384xf32, #tpu.memory_space<hbm>>
    %dma_start3A_65 = tpu.memref_slice %arg3[%mul3A_58] : memref<4194304xf32, #tpu.memory_space<hbm>> -> memref<16384xf32, #tpu.memory_space<hbm>>
    tpu.enqueue_dma source(%dma_start3A_65 : memref<16384xf32, #tpu.memory_space<hbm>>) target(%arg9 : memref<16384xf32, #tpu.memory_space<vmem>>) target_semaphore(%arg15 : memref<!tpu.dma_semaphore, #tpu.memory_space<semaphore_mem>>)
    %add3A_66 = arith.constant 0 : i32
    %add3A_67 = arith.addi %add3A_37, %add3A_66 : i32
    %mul3A_68 = arith.constant 1024 : i32
    %mul3A_69 = arith.muli %add3A_67, %mul3A_68 : i32
    %add3A_70 = arith.constant 0 : i32
    %add3A_71 = arith.addi %add3A_39, %add3A_70 : i32
    %mul3A_72 = arith.constant 1024 : i32
    %mul3A_73 = arith.muli %add3A_71, %mul3A_72 : i32
    %dma_wait3A = tpu.memref_slice %arg2[%mul3A_69] : memref<16777216xf32, #tpu.memory_space<hbm>> -> memref<16384xf32, #tpu.memory_space<hbm>>
    %dma_wait3A_74 = tpu.memref_slice %arg2[%mul3A_69] : memref<16777216xf32, #tpu.memory_space<hbm>> -> memref<16384xf32, #tpu.memory_space<hbm>>
    tpu.wait_dma2 semaphore(%arg11 : memref<!tpu.dma_semaphore, #tpu.memory_space<semaphore_mem>>) src(%dma_wait3A_74 : memref<16384xf32, #tpu.memory_space<hbm>>) dst(%arg5 : memref<16384xf32, #tpu.memory_space<vmem>>)
    %dma_wait3A_75 = tpu.memref_slice %arg3[%mul3A_73] : memref<4194304xf32, #tpu.memory_space<hbm>> -> memref<16384xf32, #tpu.memory_space<hbm>>
    %dma_wait3A_76 = tpu.memref_slice %arg3[%mul3A_73] : memref<4194304xf32, #tpu.memory_space<hbm>> -> memref<16384xf32, #tpu.memory_space<hbm>>
    tpu.wait_dma2 semaphore(%arg14 : memref<!tpu.dma_semaphore, #tpu.memory_space<semaphore_mem>>) src(%dma_wait3A_76 : memref<16384xf32, #tpu.memory_space<hbm>>) dst(%arg8 : memref<16384xf32, #tpu.memory_space<vmem>>)
    %add3A_77 = arith.constant 32 : i32
    %add3A_78 = arith.addi %add3A_37, %add3A_77 : i32
    %mul3A_79 = arith.constant 1024 : i32
    %mul3A_80 = arith.muli %add3A_78, %mul3A_79 : i32
    %add3A_81 = arith.constant 32 : i32
    %add3A_82 = arith.addi %add3A_39, %add3A_81 : i32
    %mul3A_83 = arith.constant 1024 : i32
    %mul3A_84 = arith.muli %add3A_82, %mul3A_83 : i32
    %dma_start3A_85 = tpu.memref_slice %arg2[%mul3A_80] : memref<16777216xf32, #tpu.memory_space<hbm>> -> memref<16384xf32, #tpu.memory_space<hbm>>
    %dma_start3A_86 = tpu.memref_slice %arg2[%mul3A_80] : memref<16777216xf32, #tpu.memory_space<hbm>> -> memref<16384xf32, #tpu.memory_space<hbm>>
    tpu.enqueue_dma source(%dma_start3A_86 : memref<16384xf32, #tpu.memory_space<hbm>>) target(%arg7 : memref<16384xf32, #tpu.memory_space<vmem>>) target_semaphore(%arg13 : memref<!tpu.dma_semaphore, #tpu.memory_space<semaphore_mem>>)
    %dma_start3A_87 = tpu.memref_slice %arg3[%mul3A_84] : memref<4194304xf32, #tpu.memory_space<hbm>> -> memref<16384xf32, #tpu.memory_space<hbm>>
    %dma_start3A_88 = tpu.memref_slice %arg3[%mul3A_84] : memref<4194304xf32, #tpu.memory_space<hbm>> -> memref<16384xf32, #tpu.memory_space<hbm>>
    tpu.enqueue_dma source(%dma_start3A_88 : memref<16384xf32, #tpu.memory_space<hbm>>) target(%arg10 : memref<16384xf32, #tpu.memory_space<vmem>>) target_semaphore(%arg16 : memref<!tpu.dma_semaphore, #tpu.memory_space<semaphore_mem>>)
    %scan3A = arith.constant 0 : i32
    %scan3A_89 = arith.constant 0 : i32
    %scan3A_90 = arith.constant 64 : i32
    %scan3A_91 = arith.addi %scan3A_89, %scan3A_90 : i32
    %scan3A_92 = arith.constant 1 : i32
    scf.for %scan3A_208 = %scan3A_89 to %scan3A_91 step %scan3A_92  : i32 {
      %mul3A_209 = arith.constant 256 : i32
      %mul3A_210 = arith.muli %scan3A_208, %mul3A_209 : i32
      %add3A_211 = arith.constant 0 : i32
      %add3A_212 = arith.addi %mul3A_210, %add3A_211 : i32
      %get3A = arith.index_cast %add3A_212 : i32 to index
      %get3A_213 = tpu.vector_load %arg5[%get3A] {strides = array<i32>} : memref<16384xf32, #tpu.memory_space<vmem>>, vector<16xf32>,
      %get3A_214 = vector.shape_cast %get3A_213 : vector<16xf32> to vector<16xf32>
      %get3A_215 = arith.index_cast %add3A_212 : i32 to index
      %get3A_216 = tpu.vector_load %arg8[%get3A_215] {strides = array<i32>} : memref<16384xf32, #tpu.memory_space<vmem>>, vector<16xf32>,
      %get3A_217 = vector.shape_cast %get3A_216 : vector<16xf32> to vector<16xf32>
      %add3A_218 = arith.addf %get3A_214, %get3A_217 : vector<16xf32>
      %swap3A = arith.index_cast %add3A_212 : i32 to index
      %swap3A_219 = tpu.vector_load %arg5[%swap3A] {strides = array<i32>} : memref<16384xf32, #tpu.memory_space<vmem>>, vector<16xf32>,
      %swap3A_220 = vector.shape_cast %swap3A_219 : vector<16xf32> to vector<16xf32>
      %swap3A_221 = vector.shape_cast %add3A_218 : vector<16xf32> to vector<16xf32>
      tpu.vector_store %arg5[%swap3A], %swap3A_221 {strides = array<i32>} : memref<16384xf32, #tpu.memory_space<vmem>>, vector<16xf32>,
      %add3A_222 = arith.constant 16 : i32
      %add3A_223 = arith.addi %mul3A_210, %add3A_222 : i32
      %get3A_224 = arith.index_cast %add3A_223 : i32 to index
      %get3A_225 = tpu.vector_load %arg5[%get3A_224] {strides = array<i32>} : memref<16384xf32, #tpu.memory_space<vmem>>, vector<16xf32>,
      %get3A_226 = vector.shape_cast %get3A_225 : vector<16xf32> to vector<16xf32>
      %get3A_227 = arith.index_cast %add3A_223 : i32 to index
      %get3A_228 = tpu.vector_load %arg8[%get3A_227] {strides = array<i32>} : memref<16384xf32, #tpu.memory_space<vmem>>, vector<16xf32>,
      %get3A_229 = vector.shape_cast %get3A_228 : vector<16xf32> to vector<16xf32>
      %add3A_230 = arith.addf %get3A_226, %get3A_229 : vector<16xf32>
      %swap3A_231 = arith.index_cast %add3A_223 : i32 to index
      %swap3A_232 = tpu.vector_load %arg5[%swap3A_231] {strides = array<i32>} : memref<16384xf32, #tpu.memory_space<vmem>>, vector<16xf32>,
      %swap3A_233 = vector.shape_cast %swap3A_232 : vector<16xf32> to vector<16xf32>
      %swap3A_234 = vector.shape_cast %add3A_230 : vector<16xf32> to vector<16xf32>
      tpu.vector_store %arg5[%swap3A_231], %swap3A_234 {strides = array<i32>} : memref<16384xf32, #tpu.memory_space<vmem>>, vector<16xf32>,
      %add3A_235 = arith.constant 32 : i32
      %add3A_236 = arith.addi %mul3A_210, %add3A_235 : i32
      %get3A_237 = arith.index_cast %add3A_236 : i32 to index
      %get3A_238 = tpu.vector_load %arg5[%get3A_237] {strides = array<i32>} : memref<16384xf32, #tpu.memory_space<vmem>>, vector<16xf32>,
      %get3A_239 = vector.shape_cast %get3A_238 : vector<16xf32> to vector<16xf32>
      %get3A_240 = arith.index_cast %add3A_236 : i32 to index
      %get3A_241 = tpu.vector_load %arg8[%get3A_240] {strides = array<i32>} : memref<16384xf32, #tpu.memory_space<vmem>>, vector<16xf32>,
      %get3A_242 = vector.shape_cast %get3A_241 : vector<16xf32> to vector<16xf32>
      %add3A_243 = arith.addf %get3A_239, %get3A_242 : vector<16xf32>
      %swap3A_244 = arith.index_cast %add3A_236 : i32 to index
      %swap3A_245 = tpu.vector_load %arg5[%swap3A_244] {strides = array<i32>} : memref<16384xf32, #tpu.memory_space<vmem>>, vector<16xf32>,
      %swap3A_246 = vector.shape_cast %swap3A_245 : vector<16xf32> to vector<16xf32>
      %swap3A_247 = vector.shape_cast %add3A_243 : vector<16xf32> to vector<16xf32>
      tpu.vector_store %arg5[%swap3A_244], %swap3A_247 {strides = array<i32>} : memref<16384xf32, #tpu.memory_space<vmem>>, vector<16xf32>,
      %add3A_248 = arith.constant 48 : i32
      %add3A_249 = arith.addi %mul3A_210, %add3A_248 : i32
      %get3A_250 = arith.index_cast %add3A_249 : i32 to index
      %get3A_251 = tpu.vector_load %arg5[%get3A_250] {strides = array<i32>} : memref<16384xf32, #tpu.memory_space<vmem>>, vector<16xf32>,
      %get3A_252 = vector.shape_cast %get3A_251 : vector<16xf32> to vector<16xf32>
      %get3A_253 = arith.index_cast %add3A_249 : i32 to index
      %get3A_254 = tpu.vector_load %arg8[%get3A_253] {strides = array<i32>} : memref<16384xf32, #tpu.memory_space<vmem>>, vector<16xf32>,
      %get3A_255 = vector.shape_cast %get3A_254 : vector<16xf32> to vector<16xf32>
      %add3A_256 = arith.addf %get3A_252, %get3A_255 : vector<16xf32>
      %swap3A_257 = arith.index_cast %add3A_249 : i32 to index
      %swap3A_258 = tpu.vector_load %arg5[%swap3A_257] {strides = array<i32>} : memref<16384xf32, #tpu.memory_space<vmem>>, vector<16xf32>,
      %swap3A_259 = vector.shape_cast %swap3A_258 : vector<16xf32> to vector<16xf32>
      %swap3A_260 = vector.shape_cast %add3A_256 : vector<16xf32> to vector<16xf32>
      tpu.vector_store %arg5[%swap3A_257], %swap3A_260 {strides = array<i32>} : memref<16384xf32, #tpu.memory_space<vmem>>, vector<16xf32>,
      %add3A_261 = arith.constant 64 : i32
      %add3A_262 = arith.addi %mul3A_210, %add3A_261 : i32
      %get3A_263 = arith.index_cast %add3A_262 : i32 to index
      %get3A_264 = tpu.vector_load %arg5[%get3A_263] {strides = array<i32>} : memref<16384xf32, #tpu.memory_space<vmem>>, vector<16xf32>,
      %get3A_265 = vector.shape_cast %get3A_264 : vector<16xf32> to vector<16xf32>
      %get3A_266 = arith.index_cast %add3A_262 : i32 to index
      %get3A_267 = tpu.vector_load %arg8[%get3A_266] {strides = array<i32>} : memref<16384xf32, #tpu.memory_space<vmem>>, vector<16xf32>,
      %get3A_268 = vector.shape_cast %get3A_267 : vector<16xf32> to vector<16xf32>
      %add3A_269 = arith.addf %get3A_265, %get3A_268 : vector<16xf32>
      %swap3A_270 = arith.index_cast %add3A_262 : i32 to index
      %swap3A_271 = tpu.vector_load %arg5[%swap3A_270] {strides = array<i32>} : memref<16384xf32, #tpu.memory_space<vmem>>, vector<16xf32>,
      %swap3A_272 = vector.shape_cast %swap3A_271 : vector<16xf32> to vector<16xf32>
      %swap3A_273 = vector.shape_cast %add3A_269 : vector<16xf32> to vector<16xf32>
      tpu.vector_store %arg5[%swap3A_270], %swap3A_273 {strides = array<i32>} : memref<16384xf32, #tpu.memory_space<vmem>>, vector<16xf32>,
      %add3A_274 = arith.constant 80 : i32
      %add3A_275 = arith.addi %mul3A_210, %add3A_274 : i32
      %get3A_276 = arith.index_cast %add3A_275 : i32 to index
      %get3A_277 = tpu.vector_load %arg5[%get3A_276] {strides = array<i32>} : memref<16384xf32, #tpu.memory_space<vmem>>, vector<16xf32>,
      %get3A_278 = vector.shape_cast %get3A_277 : vector<16xf32> to vector<16xf32>
      %get3A_279 = arith.index_cast %add3A_275 : i32 to index
      %get3A_280 = tpu.vector_load %arg8[%get3A_279] {strides = array<i32>} : memref<16384xf32, #tpu.memory_space<vmem>>, vector<16xf32>,
      %get3A_281 = vector.shape_cast %get3A_280 : vector<16xf32> to vector<16xf32>
      %add3A_282 = arith.addf %get3A_278, %get3A_281 : vector<16xf32>
      %swap3A_283 = arith.index_cast %add3A_275 : i32 to index
      %swap3A_284 = tpu.vector_load %arg5[%swap3A_283] {strides = array<i32>} : memref<16384xf32, #tpu.memory_space<vmem>>, vector<16xf32>,
      %swap3A_285 = vector.shape_cast %swap3A_284 : vector<16xf32> to vector<16xf32>
      %swap3A_286 = vector.shape_cast %add3A_282 : vector<16xf32> to vector<16xf32>
      tpu.vector_store %arg5[%swap3A_283], %swap3A_286 {strides = array<i32>} : memref<16384xf32, #tpu.memory_space<vmem>>, vector<16xf32>,
      %add3A_287 = arith.constant 96 : i32
      %add3A_288 = arith.addi %mul3A_210, %add3A_287 : i32
      %get3A_289 = arith.index_cast %add3A_288 : i32 to index
      %get3A_290 = tpu.vector_load %arg5[%get3A_289] {strides = array<i32>} : memref<16384xf32, #tpu.memory_space<vmem>>, vector<16xf32>,
      %get3A_291 = vector.shape_cast %get3A_290 : vector<16xf32> to vector<16xf32>
      %get3A_292 = arith.index_cast %add3A_288 : i32 to index
      %get3A_293 = tpu.vector_load %arg8[%get3A_292] {strides = array<i32>} : memref<16384xf32, #tpu.memory_space<vmem>>, vector<16xf32>,
      %get3A_294 = vector.shape_cast %get3A_293 : vector<16xf32> to vector<16xf32>
      %add3A_295 = arith.addf %get3A_291, %get3A_294 : vector<16xf32>
      %swap3A_296 = arith.index_cast %add3A_288 : i32 to index
      %swap3A_297 = tpu.vector_load %arg5[%swap3A_296] {strides = array<i32>} : memref<16384xf32, #tpu.memory_space<vmem>>, vector<16xf32>,
      %swap3A_298 = vector.shape_cast %swap3A_297 : vector<16xf32> to vector<16xf32>
      %swap3A_299 = vector.shape_cast %add3A_295 : vector<16xf32> to vector<16xf32>
      tpu.vector_store %arg5[%swap3A_296], %swap3A_299 {strides = array<i32>} : memref<16384xf32, #tpu.memory_space<vmem>>, vector<16xf32>,
      %add3A_300 = arith.constant 112 : i32
      %add3A_301 = arith.addi %mul3A_210, %add3A_300 : i32
      %get3A_302 = arith.index_cast %add3A_301 : i32 to index
      %get3A_303 = tpu.vector_load %arg5[%get3A_302] {strides = array<i32>} : memref<16384xf32, #tpu.memory_space<vmem>>, vector<16xf32>,
      %get3A_304 = vector.shape_cast %get3A_303 : vector<16xf32> to vector<16xf32>
      %get3A_305 = arith.index_cast %add3A_301 : i32 to index
      %get3A_306 = tpu.vector_load %arg8[%get3A_305] {strides = array<i32>} : memref<16384xf32, #tpu.memory_space<vmem>>, vector<16xf32>,
      %get3A_307 = vector.shape_cast %get3A_306 : vector<16xf32> to vector<16xf32>
      %add3A_308 = arith.addf %get3A_304, %get3A_307 : vector<16xf32>
      %swap3A_309 = arith.index_cast %add3A_301 : i32 to index
      %swap3A_310 = tpu.vector_load %arg5[%swap3A_309] {strides = array<i32>} : memref<16384xf32, #tpu.memory_space<vmem>>, vector<16xf32>,
      %swap3A_311 = vector.shape_cast %swap3A_310 : vector<16xf32> to vector<16xf32>
      %swap3A_312 = vector.shape_cast %add3A_308 : vector<16xf32> to vector<16xf32>
      tpu.vector_store %arg5[%swap3A_309], %swap3A_312 {strides = array<i32>} : memref<16384xf32, #tpu.memory_space<vmem>>, vector<16xf32>,
      %add3A_313 = arith.constant 128 : i32
      %add3A_314 = arith.addi %mul3A_210, %add3A_313 : i32
      %get3A_315 = arith.index_cast %add3A_314 : i32 to index
      %get3A_316 = tpu.vector_load %arg5[%get3A_315] {strides = array<i32>} : memref<16384xf32, #tpu.memory_space<vmem>>, vector<16xf32>,
      %get3A_317 = vector.shape_cast %get3A_316 : vector<16xf32> to vector<16xf32>
      %get3A_318 = arith.index_cast %add3A_314 : i32 to index
      %get3A_319 = tpu.vector_load %arg8[%get3A_318] {strides = array<i32>} : memref<16384xf32, #tpu.memory_space<vmem>>, vector<16xf32>,
      %get3A_320 = vector.shape_cast %get3A_319 : vector<16xf32> to vector<16xf32>
      %add3A_321 = arith.addf %get3A_317, %get3A_320 : vector<16xf32>
      %swap3A_322 = arith.index_cast %add3A_314 : i32 to index
      %swap3A_323 = tpu.vector_load %arg5[%swap3A_322] {strides = array<i32>} : memref<16384xf32, #tpu.memory_space<vmem>>, vector<16xf32>,
      %swap3A_324 = vector.shape_cast %swap3A_323 : vector<16xf32> to vector<16xf32>
      %swap3A_325 = vector.shape_cast %add3A_321 : vector<16xf32> to vector<16xf32>
      tpu.vector_store %arg5[%swap3A_322], %swap3A_325 {strides = array<i32>} : memref<16384xf32, #tpu.memory_space<vmem>>, vector<16xf32>,
      %add3A_326 = arith.constant 144 : i32
      %add3A_327 = arith.addi %mul3A_210, %add3A_326 : i32
      %get3A_328 = arith.index_cast %add3A_327 : i32 to index
      %get3A_329 = tpu.vector_load %arg5[%get3A_328] {strides = array<i32>} : memref<16384xf32, #tpu.memory_space<vmem>>, vector<16xf32>,
      %get3A_330 = vector.shape_cast %get3A_329 : vector<16xf32> to vector<16xf32>
      %get3A_331 = arith.index_cast %add3A_327 : i32 to index
      %get3A_332 = tpu.vector_load %arg8[%get3A_331] {strides = array<i32>} : memref<16384xf32, #tpu.memory_space<vmem>>, vector<16xf32>,
      %get3A_333 = vector.shape_cast %get3A_332 : vector<16xf32> to vector<16xf32>
      %add3A_334 = arith.addf %get3A_330, %get3A_333 : vector<16xf32>
      %swap3A_335 = arith.index_cast %add3A_327 : i32 to index
      %swap3A_336 = tpu.vector_load %arg5[%swap3A_335] {strides = array<i32>} : memref<16384xf32, #tpu.memory_space<vmem>>, vector<16xf32>,
      %swap3A_337 = vector.shape_cast %swap3A_336 : vector<16xf32> to vector<16xf32>
      %swap3A_338 = vector.shape_cast %add3A_334 : vector<16xf32> to vector<16xf32>
      tpu.vector_store %arg5[%swap3A_335], %swap3A_338 {strides = array<i32>} : memref<16384xf32, #tpu.memory_space<vmem>>, vector<16xf32>,
      %add3A_339 = arith.constant 160 : i32
      %add3A_340 = arith.addi %mul3A_210, %add3A_339 : i32
      %get3A_341 = arith.index_cast %add3A_340 : i32 to index
      %get3A_342 = tpu.vector_load %arg5[%get3A_341] {strides = array<i32>} : memref<16384xf32, #tpu.memory_space<vmem>>, vector<16xf32>,
      %get3A_343 = vector.shape_cast %get3A_342 : vector<16xf32> to vector<16xf32>
      %get3A_344 = arith.index_cast %add3A_340 : i32 to index
      %get3A_345 = tpu.vector_load %arg8[%get3A_344] {strides = array<i32>} : memref<16384xf32, #tpu.memory_space<vmem>>, vector<16xf32>,
      %get3A_346 = vector.shape_cast %get3A_345 : vector<16xf32> to vector<16xf32>
      %add3A_347 = arith.addf %get3A_343, %get3A_346 : vector<16xf32>
      %swap3A_348 = arith.index_cast %add3A_340 : i32 to index
      %swap3A_349 = tpu.vector_load %arg5[%swap3A_348] {strides = array<i32>} : memref<16384xf32, #tpu.memory_space<vmem>>, vector<16xf32>,
      %swap3A_350 = vector.shape_cast %swap3A_349 : vector<16xf32> to vector<16xf32>
      %swap3A_351 = vector.shape_cast %add3A_347 : vector<16xf32> to vector<16xf32>
      tpu.vector_store %arg5[%swap3A_348], %swap3A_351 {strides = array<i32>} : memref<16384xf32, #tpu.memory_space<vmem>>, vector<16xf32>,
      %add3A_352 = arith.constant 176 : i32
      %add3A_353 = arith.addi %mul3A_210, %add3A_352 : i32
      %get3A_354 = arith.index_cast %add3A_353 : i32 to index
      %get3A_355 = tpu.vector_load %arg5[%get3A_354] {strides = array<i32>} : memref<16384xf32, #tpu.memory_space<vmem>>, vector<16xf32>,
      %get3A_356 = vector.shape_cast %get3A_355 : vector<16xf32> to vector<16xf32>
      %get3A_357 = arith.index_cast %add3A_353 : i32 to index
      %get3A_358 = tpu.vector_load %arg8[%get3A_357] {strides = array<i32>} : memref<16384xf32, #tpu.memory_space<vmem>>, vector<16xf32>,
      %get3A_359 = vector.shape_cast %get3A_358 : vector<16xf32> to vector<16xf32>
      %add3A_360 = arith.addf %get3A_356, %get3A_359 : vector<16xf32>
      %swap3A_361 = arith.index_cast %add3A_353 : i32 to index
      %swap3A_362 = tpu.vector_load %arg5[%swap3A_361] {strides = array<i32>} : memref<16384xf32, #tpu.memory_space<vmem>>, vector<16xf32>,
      %swap3A_363 = vector.shape_cast %swap3A_362 : vector<16xf32> to vector<16xf32>
      %swap3A_364 = vector.shape_cast %add3A_360 : vector<16xf32> to vector<16xf32>
      tpu.vector_store %arg5[%swap3A_361], %swap3A_364 {strides = array<i32>} : memref<16384xf32, #tpu.memory_space<vmem>>, vector<16xf32>,
      %add3A_365 = arith.constant 192 : i32
      %add3A_366 = arith.addi %mul3A_210, %add3A_365 : i32
      %get3A_367 = arith.index_cast %add3A_366 : i32 to index
      %get3A_368 = tpu.vector_load %arg5[%get3A_367] {strides = array<i32>} : memref<16384xf32, #tpu.memory_space<vmem>>, vector<16xf32>,
      %get3A_369 = vector.shape_cast %get3A_368 : vector<16xf32> to vector<16xf32>
      %get3A_370 = arith.index_cast %add3A_366 : i32 to index
      %get3A_371 = tpu.vector_load %arg8[%get3A_370] {strides = array<i32>} : memref<16384xf32, #tpu.memory_space<vmem>>, vector<16xf32>,
      %get3A_372 = vector.shape_cast %get3A_371 : vector<16xf32> to vector<16xf32>
      %add3A_373 = arith.addf %get3A_369, %get3A_372 : vector<16xf32>
      %swap3A_374 = arith.index_cast %add3A_366 : i32 to index
      %swap3A_375 = tpu.vector_load %arg5[%swap3A_374] {strides = array<i32>} : memref<16384xf32, #tpu.memory_space<vmem>>, vector<16xf32>,
      %swap3A_376 = vector.shape_cast %swap3A_375 : vector<16xf32> to vector<16xf32>
      %swap3A_377 = vector.shape_cast %add3A_373 : vector<16xf32> to vector<16xf32>
      tpu.vector_store %arg5[%swap3A_374], %swap3A_377 {strides = array<i32>} : memref<16384xf32, #tpu.memory_space<vmem>>, vector<16xf32>,
      %add3A_378 = arith.constant 208 : i32
      %add3A_379 = arith.addi %mul3A_210, %add3A_378 : i32
      %get3A_380 = arith.index_cast %add3A_379 : i32 to index
      %get3A_381 = tpu.vector_load %arg5[%get3A_380] {strides = array<i32>} : memref<16384xf32, #tpu.memory_space<vmem>>, vector<16xf32>,
      %get3A_382 = vector.shape_cast %get3A_381 : vector<16xf32> to vector<16xf32>
      %get3A_383 = arith.index_cast %add3A_379 : i32 to index
      %get3A_384 = tpu.vector_load %arg8[%get3A_383] {strides = array<i32>} : memref<16384xf32, #tpu.memory_space<vmem>>, vector<16xf32>,
      %get3A_385 = vector.shape_cast %get3A_384 : vector<16xf32> to vector<16xf32>
      %add3A_386 = arith.addf %get3A_382, %get3A_385 : vector<16xf32>
      %swap3A_387 = arith.index_cast %add3A_379 : i32 to index
      %swap3A_388 = tpu.vector_load %arg5[%swap3A_387] {strides = array<i32>} : memref<16384xf32, #tpu.memory_space<vmem>>, vector<16xf32>,
      %swap3A_389 = vector.shape_cast %swap3A_388 : vector<16xf32> to vector<16xf32>
      %swap3A_390 = vector.shape_cast %add3A_386 : vector<16xf32> to vector<16xf32>
      tpu.vector_store %arg5[%swap3A_387], %swap3A_390 {strides = array<i32>} : memref<16384xf32, #tpu.memory_space<vmem>>, vector<16xf32>,
      %add3A_391 = arith.constant 224 : i32
      %add3A_392 = arith.addi %mul3A_210, %add3A_391 : i32
      %get3A_393 = arith.index_cast %add3A_392 : i32 to index
      %get3A_394 = tpu.vector_load %arg5[%get3A_393] {strides = array<i32>} : memref<16384xf32, #tpu.memory_space<vmem>>, vector<16xf32>,
      %get3A_395 = vector.shape_cast %get3A_394 : vector<16xf32> to vector<16xf32>
      %get3A_396 = arith.index_cast %add3A_392 : i32 to index
      %get3A_397 = tpu.vector_load %arg8[%get3A_396] {strides = array<i32>} : memref<16384xf32, #tpu.memory_space<vmem>>, vector<16xf32>,
      %get3A_398 = vector.shape_cast %get3A_397 : vector<16xf32> to vector<16xf32>
      %add3A_399 = arith.addf %get3A_395, %get3A_398 : vector<16xf32>
      %swap3A_400 = arith.index_cast %add3A_392 : i32 to index
      %swap3A_401 = tpu.vector_load %arg5[%swap3A_400] {strides = array<i32>} : memref<16384xf32, #tpu.memory_space<vmem>>, vector<16xf32>,
      %swap3A_402 = vector.shape_cast %swap3A_401 : vector<16xf32> to vector<16xf32>
      %swap3A_403 = vector.shape_cast %add3A_399 : vector<16xf32> to vector<16xf32>
      tpu.vector_store %arg5[%swap3A_400], %swap3A_403 {strides = array<i32>} : memref<16384xf32, #tpu.memory_space<vmem>>, vector<16xf32>,
      %add3A_404 = arith.constant 240 : i32
      %add3A_405 = arith.addi %mul3A_210, %add3A_404 : i32
      %get3A_406 = arith.index_cast %add3A_405 : i32 to index
      %get3A_407 = tpu.vector_load %arg5[%get3A_406] {strides = array<i32>} : memref<16384xf32, #tpu.memory_space<vmem>>, vector<16xf32>,
      %get3A_408 = vector.shape_cast %get3A_407 : vector<16xf32> to vector<16xf32>
      %get3A_409 = arith.index_cast %add3A_405 : i32 to index
      %get3A_410 = tpu.vector_load %arg8[%get3A_409] {strides = array<i32>} : memref<16384xf32, #tpu.memory_space<vmem>>, vector<16xf32>,
      %get3A_411 = vector.shape_cast %get3A_410 : vector<16xf32> to vector<16xf32>
      %add3A_412 = arith.addf %get3A_408, %get3A_411 : vector<16xf32>
      %swap3A_413 = arith.index_cast %add3A_405 : i32 to index
      %swap3A_414 = tpu.vector_load %arg5[%swap3A_413] {strides = array<i32>} : memref<16384xf32, #tpu.memory_space<vmem>>, vector<16xf32>,
      %swap3A_415 = vector.shape_cast %swap3A_414 : vector<16xf32> to vector<16xf32>
      %swap3A_416 = vector.shape_cast %add3A_412 : vector<16xf32> to vector<16xf32>
      tpu.vector_store %arg5[%swap3A_413], %swap3A_416 {strides = array<i32>} : memref<16384xf32, #tpu.memory_space<vmem>>, vector<16xf32>,
    }
    %scan3A_93 = arith.constant 64 : i32
    %add3A_94 = arith.constant 0 : i32
    %add3A_95 = arith.addi %add3A_42, %add3A_94 : i32
    %mul3A_96 = arith.constant 1024 : i32
    %mul3A_97 = arith.muli %add3A_95, %mul3A_96 : i32
    %dma_start3A_98 = tpu.memref_slice %arg4[%mul3A_97] : memref<2097152xf32, #tpu.memory_space<hbm>> -> memref<16384xf32, #tpu.memory_space<hbm>>
    %dma_start3A_99 = tpu.memref_slice %arg4[%mul3A_97] : memref<2097152xf32, #tpu.memory_space<hbm>> -> memref<16384xf32, #tpu.memory_space<hbm>>
    tpu.enqueue_dma source(%arg5 : memref<16384xf32, #tpu.memory_space<vmem>>) target(%dma_start3A_99 : memref<16384xf32, #tpu.memory_space<hbm>>) target_semaphore(%arg17 : memref<!tpu.dma_semaphore, #tpu.memory_space<semaphore_mem>>)
    %add3A_100 = arith.constant 16 : i32
    %add3A_101 = arith.addi %add3A_37, %add3A_100 : i32
    %mul3A_102 = arith.constant 1024 : i32
    %mul3A_103 = arith.muli %add3A_101, %mul3A_102 : i32
    %add3A_104 = arith.constant 16 : i32
    %add3A_105 = arith.addi %add3A_39, %add3A_104 : i32
    %mul3A_106 = arith.constant 1024 : i32
    %mul3A_107 = arith.muli %add3A_105, %mul3A_106 : i32
    %dma_wait3A_108 = tpu.memref_slice %arg2[%mul3A_103] : memref<16777216xf32, #tpu.memory_space<hbm>> -> memref<16384xf32, #tpu.memory_space<hbm>>
    %dma_wait3A_109 = tpu.memref_slice %arg2[%mul3A_103] : memref<16777216xf32, #tpu.memory_space<hbm>> -> memref<16384xf32, #tpu.memory_space<hbm>>
    tpu.wait_dma2 semaphore(%arg12 : memref<!tpu.dma_semaphore, #tpu.memory_space<semaphore_mem>>) src(%dma_wait3A_109 : memref<16384xf32, #tpu.memory_space<hbm>>) dst(%arg6 : memref<16384xf32, #tpu.memory_space<vmem>>)
    %dma_wait3A_110 = tpu.memref_slice %arg3[%mul3A_107] : memref<4194304xf32, #tpu.memory_space<hbm>> -> memref<16384xf32, #tpu.memory_space<hbm>>
    %dma_wait3A_111 = tpu.memref_slice %arg3[%mul3A_107] : memref<4194304xf32, #tpu.memory_space<hbm>> -> memref<16384xf32, #tpu.memory_space<hbm>>
    tpu.wait_dma2 semaphore(%arg15 : memref<!tpu.dma_semaphore, #tpu.memory_space<semaphore_mem>>) src(%dma_wait3A_111 : memref<16384xf32, #tpu.memory_space<hbm>>) dst(%arg9 : memref<16384xf32, #tpu.memory_space<vmem>>)
    %add3A_112 = arith.constant 0 : i32
    %add3A_113 = arith.addi %add3A_42, %add3A_112 : i32
    %mul3A_114 = arith.constant 1024 : i32
    %mul3A_115 = arith.muli %add3A_113, %mul3A_114 : i32
    %dma_wait3A_116 = tpu.memref_slice %arg4[%mul3A_115] : memref<2097152xf32, #tpu.memory_space<hbm>> -> memref<16384xf32, #tpu.memory_space<hbm>>
    %dma_wait3A_117 = tpu.memref_slice %arg4[%mul3A_115] : memref<2097152xf32, #tpu.memory_space<hbm>> -> memref<16384xf32, #tpu.memory_space<hbm>>
    tpu.wait_dma2 semaphore(%arg17 : memref<!tpu.dma_semaphore, #tpu.memory_space<semaphore_mem>>) src(%arg5 : memref<16384xf32, #tpu.memory_space<vmem>>) dst(%dma_wait3A_117 : memref<16384xf32, #tpu.memory_space<hbm>>)
    %add3A_118 = arith.constant 48 : i32
    %add3A_119 = arith.addi %add3A_37, %add3A_118 : i32
    %mul3A_120 = arith.constant 1024 : i32
    %mul3A_121 = arith.muli %add3A_119, %mul3A_120 : i32
    %add3A_122 = arith.constant 48 : i32
    %add3A_123 = arith.addi %add3A_39, %add3A_122 : i32
    %mul3A_124 = arith.constant 1024 : i32
    %mul3A_125 = arith.muli %add3A_123, %mul3A_124 : i32
    %dma_start3A_126 = tpu.memref_slice %arg2[%mul3A_121] : memref<16777216xf32, #tpu.memory_space<hbm>> -> memref<16384xf32, #tpu.memory_space<hbm>>
    %dma_start3A_127 = tpu.memref_slice %arg2[%mul3A_121] : memref<16777216xf32, #tpu.memory_space<hbm>> -> memref<16384xf32, #tpu.memory_space<hbm>>
    tpu.enqueue_dma source(%dma_start3A_127 : memref<16384xf32, #tpu.memory_space<hbm>>) target(%arg5 : memref<16384xf32, #tpu.memory_space<vmem>>) target_semaphore(%arg11 : memref<!tpu.dma_semaphore, #tpu.memory_space<semaphore_mem>>)
    %dma_start3A_128 = tpu.memref_slice %arg3[%mul3A_125] : memref<4194304xf32, #tpu.memory_space<hbm>> -> memref<16384xf32, #tpu.memory_space<hbm>>
    %dma_start3A_129 = tpu.memref_slice %arg3[%mul3A_125] : memref<4194304xf32, #tpu.memory_space<hbm>> -> memref<16384xf32, #tpu.memory_space<hbm>>
    tpu.enqueue_dma source(%dma_start3A_129 : memref<16384xf32, #tpu.memory_space<hbm>>) target(%arg8 : memref<16384xf32, #tpu.memory_space<vmem>>) target_semaphore(%arg14 : memref<!tpu.dma_semaphore, #tpu.memory_space<semaphore_mem>>)
    %scan3A_130 = arith.constant 0 : i32
    %scan3A_131 = arith.constant 0 : i32
    %scan3A_132 = arith.constant 64 : i32
    %scan3A_133 = arith.addi %scan3A_131, %scan3A_132 : i32
    %scan3A_134 = arith.constant 1 : i32
    scf.for %scan3A_208 = %scan3A_131 to %scan3A_133 step %scan3A_134  : i32 {
      %mul3A_209 = arith.constant 256 : i32
      %mul3A_210 = arith.muli %scan3A_208, %mul3A_209 : i32
      %add3A_211 = arith.constant 0 : i32
      %add3A_212 = arith.addi %mul3A_210, %add3A_211 : i32
      %get3A = arith.index_cast %add3A_212 : i32 to index
      %get3A_213 = tpu.vector_load %arg6[%get3A] {strides = array<i32>} : memref<16384xf32, #tpu.memory_space<vmem>>, vector<16xf32>,
      %get3A_214 = vector.shape_cast %get3A_213 : vector<16xf32> to vector<16xf32>
      %get3A_215 = arith.index_cast %add3A_212 : i32 to index
      %get3A_216 = tpu.vector_load %arg9[%get3A_215] {strides = array<i32>} : memref<16384xf32, #tpu.memory_space<vmem>>, vector<16xf32>,
      %get3A_217 = vector.shape_cast %get3A_216 : vector<16xf32> to vector<16xf32>
      %add3A_218 = arith.addf %get3A_214, %get3A_217 : vector<16xf32>
      %swap3A = arith.index_cast %add3A_212 : i32 to index
      %swap3A_219 = tpu.vector_load %arg6[%swap3A] {strides = array<i32>} : memref<16384xf32, #tpu.memory_space<vmem>>, vector<16xf32>,
      %swap3A_220 = vector.shape_cast %swap3A_219 : vector<16xf32> to vector<16xf32>
      %swap3A_221 = vector.shape_cast %add3A_218 : vector<16xf32> to vector<16xf32>
      tpu.vector_store %arg6[%swap3A], %swap3A_221 {strides = array<i32>} : memref<16384xf32, #tpu.memory_space<vmem>>, vector<16xf32>,
      %add3A_222 = arith.constant 16 : i32
      %add3A_223 = arith.addi %mul3A_210, %add3A_222 : i32
      %get3A_224 = arith.index_cast %add3A_223 : i32 to index
      %get3A_225 = tpu.vector_load %arg6[%get3A_224] {strides = array<i32>} : memref<16384xf32, #tpu.memory_space<vmem>>, vector<16xf32>,
      %get3A_226 = vector.shape_cast %get3A_225 : vector<16xf32> to vector<16xf32>
      %get3A_227 = arith.index_cast %add3A_223 : i32 to index
      %get3A_228 = tpu.vector_load %arg9[%get3A_227] {strides = array<i32>} : memref<16384xf32, #tpu.memory_space<vmem>>, vector<16xf32>,
      %get3A_229 = vector.shape_cast %get3A_228 : vector<16xf32> to vector<16xf32>
      %add3A_230 = arith.addf %get3A_226, %get3A_229 : vector<16xf32>
      %swap3A_231 = arith.index_cast %add3A_223 : i32 to index
      %swap3A_232 = tpu.vector_load %arg6[%swap3A_231] {strides = array<i32>} : memref<16384xf32, #tpu.memory_space<vmem>>, vector<16xf32>,
      %swap3A_233 = vector.shape_cast %swap3A_232 : vector<16xf32> to vector<16xf32>
      %swap3A_234 = vector.shape_cast %add3A_230 : vector<16xf32> to vector<16xf32>
      tpu.vector_store %arg6[%swap3A_231], %swap3A_234 {strides = array<i32>} : memref<16384xf32, #tpu.memory_space<vmem>>, vector<16xf32>,
      %add3A_235 = arith.constant 32 : i32
      %add3A_236 = arith.addi %mul3A_210, %add3A_235 : i32
      %get3A_237 = arith.index_cast %add3A_236 : i32 to index
      %get3A_238 = tpu.vector_load %arg6[%get3A_237] {strides = array<i32>} : memref<16384xf32, #tpu.memory_space<vmem>>, vector<16xf32>,
      %get3A_239 = vector.shape_cast %get3A_238 : vector<16xf32> to vector<16xf32>
      %get3A_240 = arith.index_cast %add3A_236 : i32 to index
      %get3A_241 = tpu.vector_load %arg9[%get3A_240] {strides = array<i32>} : memref<16384xf32, #tpu.memory_space<vmem>>, vector<16xf32>,
      %get3A_242 = vector.shape_cast %get3A_241 : vector<16xf32> to vector<16xf32>
      %add3A_243 = arith.addf %get3A_239, %get3A_242 : vector<16xf32>
      %swap3A_244 = arith.index_cast %add3A_236 : i32 to index
      %swap3A_245 = tpu.vector_load %arg6[%swap3A_244] {strides = array<i32>} : memref<16384xf32, #tpu.memory_space<vmem>>, vector<16xf32>,
      %swap3A_246 = vector.shape_cast %swap3A_245 : vector<16xf32> to vector<16xf32>
      %swap3A_247 = vector.shape_cast %add3A_243 : vector<16xf32> to vector<16xf32>
      tpu.vector_store %arg6[%swap3A_244], %swap3A_247 {strides = array<i32>} : memref<16384xf32, #tpu.memory_space<vmem>>, vector<16xf32>,
      %add3A_248 = arith.constant 48 : i32
      %add3A_249 = arith.addi %mul3A_210, %add3A_248 : i32
      %get3A_250 = arith.index_cast %add3A_249 : i32 to index
      %get3A_251 = tpu.vector_load %arg6[%get3A_250] {strides = array<i32>} : memref<16384xf32, #tpu.memory_space<vmem>>, vector<16xf32>,
      %get3A_252 = vector.shape_cast %get3A_251 : vector<16xf32> to vector<16xf32>
      %get3A_253 = arith.index_cast %add3A_249 : i32 to index
      %get3A_254 = tpu.vector_load %arg9[%get3A_253] {strides = array<i32>} : memref<16384xf32, #tpu.memory_space<vmem>>, vector<16xf32>,
      %get3A_255 = vector.shape_cast %get3A_254 : vector<16xf32> to vector<16xf32>
      %add3A_256 = arith.addf %get3A_252, %get3A_255 : vector<16xf32>
      %swap3A_257 = arith.index_cast %add3A_249 : i32 to index
      %swap3A_258 = tpu.vector_load %arg6[%swap3A_257] {strides = array<i32>} : memref<16384xf32, #tpu.memory_space<vmem>>, vector<16xf32>,
      %swap3A_259 = vector.shape_cast %swap3A_258 : vector<16xf32> to vector<16xf32>
      %swap3A_260 = vector.shape_cast %add3A_256 : vector<16xf32> to vector<16xf32>
      tpu.vector_store %arg6[%swap3A_257], %swap3A_260 {strides = array<i32>} : memref<16384xf32, #tpu.memory_space<vmem>>, vector<16xf32>,
      %add3A_261 = arith.constant 64 : i32
      %add3A_262 = arith.addi %mul3A_210, %add3A_261 : i32
      %get3A_263 = arith.index_cast %add3A_262 : i32 to index
      %get3A_264 = tpu.vector_load %arg6[%get3A_263] {strides = array<i32>} : memref<16384xf32, #tpu.memory_space<vmem>>, vector<16xf32>,
      %get3A_265 = vector.shape_cast %get3A_264 : vector<16xf32> to vector<16xf32>
      %get3A_266 = arith.index_cast %add3A_262 : i32 to index
      %get3A_267 = tpu.vector_load %arg9[%get3A_266] {strides = array<i32>} : memref<16384xf32, #tpu.memory_space<vmem>>, vector<16xf32>,
      %get3A_268 = vector.shape_cast %get3A_267 : vector<16xf32> to vector<16xf32>
      %add3A_269 = arith.addf %get3A_265, %get3A_268 : vector<16xf32>
      %swap3A_270 = arith.index_cast %add3A_262 : i32 to index
      %swap3A_271 = tpu.vector_load %arg6[%swap3A_270] {strides = array<i32>} : memref<16384xf32, #tpu.memory_space<vmem>>, vector<16xf32>,
      %swap3A_272 = vector.shape_cast %swap3A_271 : vector<16xf32> to vector<16xf32>
      %swap3A_273 = vector.shape_cast %add3A_269 : vector<16xf32> to vector<16xf32>
      tpu.vector_store %arg6[%swap3A_270], %swap3A_273 {strides = array<i32>} : memref<16384xf32, #tpu.memory_space<vmem>>, vector<16xf32>,
      %add3A_274 = arith.constant 80 : i32
      %add3A_275 = arith.addi %mul3A_210, %add3A_274 : i32
      %get3A_276 = arith.index_cast %add3A_275 : i32 to index
      %get3A_277 = tpu.vector_load %arg6[%get3A_276] {strides = array<i32>} : memref<16384xf32, #tpu.memory_space<vmem>>, vector<16xf32>,
      %get3A_278 = vector.shape_cast %get3A_277 : vector<16xf32> to vector<16xf32>
      %get3A_279 = arith.index_cast %add3A_275 : i32 to index
      %get3A_280 = tpu.vector_load %arg9[%get3A_279] {strides = array<i32>} : memref<16384xf32, #tpu.memory_space<vmem>>, vector<16xf32>,
      %get3A_281 = vector.shape_cast %get3A_280 : vector<16xf32> to vector<16xf32>
      %add3A_282 = arith.addf %get3A_278, %get3A_281 : vector<16xf32>
      %swap3A_283 = arith.index_cast %add3A_275 : i32 to index
      %swap3A_284 = tpu.vector_load %arg6[%swap3A_283] {strides = array<i32>} : memref<16384xf32, #tpu.memory_space<vmem>>, vector<16xf32>,
      %swap3A_285 = vector.shape_cast %swap3A_284 : vector<16xf32> to vector<16xf32>
      %swap3A_286 = vector.shape_cast %add3A_282 : vector<16xf32> to vector<16xf32>
      tpu.vector_store %arg6[%swap3A_283], %swap3A_286 {strides = array<i32>} : memref<16384xf32, #tpu.memory_space<vmem>>, vector<16xf32>,
      %add3A_287 = arith.constant 96 : i32
      %add3A_288 = arith.addi %mul3A_210, %add3A_287 : i32
      %get3A_289 = arith.index_cast %add3A_288 : i32 to index
      %get3A_290 = tpu.vector_load %arg6[%get3A_289] {strides = array<i32>} : memref<16384xf32, #tpu.memory_space<vmem>>, vector<16xf32>,
      %get3A_291 = vector.shape_cast %get3A_290 : vector<16xf32> to vector<16xf32>
      %get3A_292 = arith.index_cast %add3A_288 : i32 to index
      %get3A_293 = tpu.vector_load %arg9[%get3A_292] {strides = array<i32>} : memref<16384xf32, #tpu.memory_space<vmem>>, vector<16xf32>,
      %get3A_294 = vector.shape_cast %get3A_293 : vector<16xf32> to vector<16xf32>
      %add3A_295 = arith.addf %get3A_291, %get3A_294 : vector<16xf32>
      %swap3A_296 = arith.index_cast %add3A_288 : i32 to index
      %swap3A_297 = tpu.vector_load %arg6[%swap3A_296] {strides = array<i32>} : memref<16384xf32, #tpu.memory_space<vmem>>, vector<16xf32>,
      %swap3A_298 = vector.shape_cast %swap3A_297 : vector<16xf32> to vector<16xf32>
      %swap3A_299 = vector.shape_cast %add3A_295 : vector<16xf32> to vector<16xf32>
      tpu.vector_store %arg6[%swap3A_296], %swap3A_299 {strides = array<i32>} : memref<16384xf32, #tpu.memory_space<vmem>>, vector<16xf32>,
      %add3A_300 = arith.constant 112 : i32
      %add3A_301 = arith.addi %mul3A_210, %add3A_300 : i32
      %get3A_302 = arith.index_cast %add3A_301 : i32 to index
      %get3A_303 = tpu.vector_load %arg6[%get3A_302] {strides = array<i32>} : memref<16384xf32, #tpu.memory_space<vmem>>, vector<16xf32>,
      %get3A_304 = vector.shape_cast %get3A_303 : vector<16xf32> to vector<16xf32>
      %get3A_305 = arith.index_cast %add3A_301 : i32 to index
      %get3A_306 = tpu.vector_load %arg9[%get3A_305] {strides = array<i32>} : memref<16384xf32, #tpu.memory_space<vmem>>, vector<16xf32>,
      %get3A_307 = vector.shape_cast %get3A_306 : vector<16xf32> to vector<16xf32>
      %add3A_308 = arith.addf %get3A_304, %get3A_307 : vector<16xf32>
      %swap3A_309 = arith.index_cast %add3A_301 : i32 to index
      %swap3A_310 = tpu.vector_load %arg6[%swap3A_309] {strides = array<i32>} : memref<16384xf32, #tpu.memory_space<vmem>>, vector<16xf32>,
      %swap3A_311 = vector.shape_cast %swap3A_310 : vector<16xf32> to vector<16xf32>
      %swap3A_312 = vector.shape_cast %add3A_308 : vector<16xf32> to vector<16xf32>
      tpu.vector_store %arg6[%swap3A_309], %swap3A_312 {strides = array<i32>} : memref<16384xf32, #tpu.memory_space<vmem>>, vector<16xf32>,
      %add3A_313 = arith.constant 128 : i32
      %add3A_314 = arith.addi %mul3A_210, %add3A_313 : i32
      %get3A_315 = arith.index_cast %add3A_314 : i32 to index
      %get3A_316 = tpu.vector_load %arg6[%get3A_315] {strides = array<i32>} : memref<16384xf32, #tpu.memory_space<vmem>>, vector<16xf32>,
      %get3A_317 = vector.shape_cast %get3A_316 : vector<16xf32> to vector<16xf32>
      %get3A_318 = arith.index_cast %add3A_314 : i32 to index
      %get3A_319 = tpu.vector_load %arg9[%get3A_318] {strides = array<i32>} : memref<16384xf32, #tpu.memory_space<vmem>>, vector<16xf32>,
      %get3A_320 = vector.shape_cast %get3A_319 : vector<16xf32> to vector<16xf32>
      %add3A_321 = arith.addf %get3A_317, %get3A_320 : vector<16xf32>
      %swap3A_322 = arith.index_cast %add3A_314 : i32 to index
      %swap3A_323 = tpu.vector_load %arg6[%swap3A_322] {strides = array<i32>} : memref<16384xf32, #tpu.memory_space<vmem>>, vector<16xf32>,
      %swap3A_324 = vector.shape_cast %swap3A_323 : vector<16xf32> to vector<16xf32>
      %swap3A_325 = vector.shape_cast %add3A_321 : vector<16xf32> to vector<16xf32>
      tpu.vector_store %arg6[%swap3A_322], %swap3A_325 {strides = array<i32>} : memref<16384xf32, #tpu.memory_space<vmem>>, vector<16xf32>,
      %add3A_326 = arith.constant 144 : i32
      %add3A_327 = arith.addi %mul3A_210, %add3A_326 : i32
      %get3A_328 = arith.index_cast %add3A_327 : i32 to index
      %get3A_329 = tpu.vector_load %arg6[%get3A_328] {strides = array<i32>} : memref<16384xf32, #tpu.memory_space<vmem>>, vector<16xf32>,
      %get3A_330 = vector.shape_cast %get3A_329 : vector<16xf32> to vector<16xf32>
      %get3A_331 = arith.index_cast %add3A_327 : i32 to index
      %get3A_332 = tpu.vector_load %arg9[%get3A_331] {strides = array<i32>} : memref<16384xf32, #tpu.memory_space<vmem>>, vector<16xf32>,
      %get3A_333 = vector.shape_cast %get3A_332 : vector<16xf32> to vector<16xf32>
      %add3A_334 = arith.addf %get3A_330, %get3A_333 : vector<16xf32>
      %swap3A_335 = arith.index_cast %add3A_327 : i32 to index
      %swap3A_336 = tpu.vector_load %arg6[%swap3A_335] {strides = array<i32>} : memref<16384xf32, #tpu.memory_space<vmem>>, vector<16xf32>,
      %swap3A_337 = vector.shape_cast %swap3A_336 : vector<16xf32> to vector<16xf32>
      %swap3A_338 = vector.shape_cast %add3A_334 : vector<16xf32> to vector<16xf32>
      tpu.vector_store %arg6[%swap3A_335], %swap3A_338 {strides = array<i32>} : memref<16384xf32, #tpu.memory_space<vmem>>, vector<16xf32>,
      %add3A_339 = arith.constant 160 : i32
      %add3A_340 = arith.addi %mul3A_210, %add3A_339 : i32
      %get3A_341 = arith.index_cast %add3A_340 : i32 to index
      %get3A_342 = tpu.vector_load %arg6[%get3A_341] {strides = array<i32>} : memref<16384xf32, #tpu.memory_space<vmem>>, vector<16xf32>,
      %get3A_343 = vector.shape_cast %get3A_342 : vector<16xf32> to vector<16xf32>
      %get3A_344 = arith.index_cast %add3A_340 : i32 to index
      %get3A_345 = tpu.vector_load %arg9[%get3A_344] {strides = array<i32>} : memref<16384xf32, #tpu.memory_space<vmem>>, vector<16xf32>,
      %get3A_346 = vector.shape_cast %get3A_345 : vector<16xf32> to vector<16xf32>
      %add3A_347 = arith.addf %get3A_343, %get3A_346 : vector<16xf32>
      %swap3A_348 = arith.index_cast %add3A_340 : i32 to index
      %swap3A_349 = tpu.vector_load %arg6[%swap3A_348] {strides = array<i32>} : memref<16384xf32, #tpu.memory_space<vmem>>, vector<16xf32>,
      %swap3A_350 = vector.shape_cast %swap3A_349 : vector<16xf32> to vector<16xf32>
      %swap3A_351 = vector.shape_cast %add3A_347 : vector<16xf32> to vector<16xf32>
      tpu.vector_store %arg6[%swap3A_348], %swap3A_351 {strides = array<i32>} : memref<16384xf32, #tpu.memory_space<vmem>>, vector<16xf32>,
      %add3A_352 = arith.constant 176 : i32
      %add3A_353 = arith.addi %mul3A_210, %add3A_352 : i32
      %get3A_354 = arith.index_cast %add3A_353 : i32 to index
      %get3A_355 = tpu.vector_load %arg6[%get3A_354] {strides = array<i32>} : memref<16384xf32, #tpu.memory_space<vmem>>, vector<16xf32>,
      %get3A_356 = vector.shape_cast %get3A_355 : vector<16xf32> to vector<16xf32>
      %get3A_357 = arith.index_cast %add3A_353 : i32 to index
      %get3A_358 = tpu.vector_load %arg9[%get3A_357] {strides = array<i32>} : memref<16384xf32, #tpu.memory_space<vmem>>, vector<16xf32>,
      %get3A_359 = vector.shape_cast %get3A_358 : vector<16xf32> to vector<16xf32>
      %add3A_360 = arith.addf %get3A_356, %get3A_359 : vector<16xf32>
      %swap3A_361 = arith.index_cast %add3A_353 : i32 to index
      %swap3A_362 = tpu.vector_load %arg6[%swap3A_361] {strides = array<i32>} : memref<16384xf32, #tpu.memory_space<vmem>>, vector<16xf32>,
      %swap3A_363 = vector.shape_cast %swap3A_362 : vector<16xf32> to vector<16xf32>
      %swap3A_364 = vector.shape_cast %add3A_360 : vector<16xf32> to vector<16xf32>
      tpu.vector_store %arg6[%swap3A_361], %swap3A_364 {strides = array<i32>} : memref<16384xf32, #tpu.memory_space<vmem>>, vector<16xf32>,
      %add3A_365 = arith.constant 192 : i32
      %add3A_366 = arith.addi %mul3A_210, %add3A_365 : i32
      %get3A_367 = arith.index_cast %add3A_366 : i32 to index
      %get3A_368 = tpu.vector_load %arg6[%get3A_367] {strides = array<i32>} : memref<16384xf32, #tpu.memory_space<vmem>>, vector<16xf32>,
      %get3A_369 = vector.shape_cast %get3A_368 : vector<16xf32> to vector<16xf32>
      %get3A_370 = arith.index_cast %add3A_366 : i32 to index
      %get3A_371 = tpu.vector_load %arg9[%get3A_370] {strides = array<i32>} : memref<16384xf32, #tpu.memory_space<vmem>>, vector<16xf32>,
      %get3A_372 = vector.shape_cast %get3A_371 : vector<16xf32> to vector<16xf32>
      %add3A_373 = arith.addf %get3A_369, %get3A_372 : vector<16xf32>
      %swap3A_374 = arith.index_cast %add3A_366 : i32 to index
      %swap3A_375 = tpu.vector_load %arg6[%swap3A_374] {strides = array<i32>} : memref<16384xf32, #tpu.memory_space<vmem>>, vector<16xf32>,
      %swap3A_376 = vector.shape_cast %swap3A_375 : vector<16xf32> to vector<16xf32>
      %swap3A_377 = vector.shape_cast %add3A_373 : vector<16xf32> to vector<16xf32>
      tpu.vector_store %arg6[%swap3A_374], %swap3A_377 {strides = array<i32>} : memref<16384xf32, #tpu.memory_space<vmem>>, vector<16xf32>,
      %add3A_378 = arith.constant 208 : i32
      %add3A_379 = arith.addi %mul3A_210, %add3A_378 : i32
      %get3A_380 = arith.index_cast %add3A_379 : i32 to index
      %get3A_381 = tpu.vector_load %arg6[%get3A_380] {strides = array<i32>} : memref<16384xf32, #tpu.memory_space<vmem>>, vector<16xf32>,
      %get3A_382 = vector.shape_cast %get3A_381 : vector<16xf32> to vector<16xf32>
      %get3A_383 = arith.index_cast %add3A_379 : i32 to index
      %get3A_384 = tpu.vector_load %arg9[%get3A_383] {strides = array<i32>} : memref<16384xf32, #tpu.memory_space<vmem>>, vector<16xf32>,
      %get3A_385 = vector.shape_cast %get3A_384 : vector<16xf32> to vector<16xf32>
      %add3A_386 = arith.addf %get3A_382, %get3A_385 : vector<16xf32>
      %swap3A_387 = arith.index_cast %add3A_379 : i32 to index
      %swap3A_388 = tpu.vector_load %arg6[%swap3A_387] {strides = array<i32>} : memref<16384xf32, #tpu.memory_space<vmem>>, vector<16xf32>,
      %swap3A_389 = vector.shape_cast %swap3A_388 : vector<16xf32> to vector<16xf32>
      %swap3A_390 = vector.shape_cast %add3A_386 : vector<16xf32> to vector<16xf32>
      tpu.vector_store %arg6[%swap3A_387], %swap3A_390 {strides = array<i32>} : memref<16384xf32, #tpu.memory_space<vmem>>, vector<16xf32>,
      %add3A_391 = arith.constant 224 : i32
      %add3A_392 = arith.addi %mul3A_210, %add3A_391 : i32
      %get3A_393 = arith.index_cast %add3A_392 : i32 to index
      %get3A_394 = tpu.vector_load %arg6[%get3A_393] {strides = array<i32>} : memref<16384xf32, #tpu.memory_space<vmem>>, vector<16xf32>,
      %get3A_395 = vector.shape_cast %get3A_394 : vector<16xf32> to vector<16xf32>
      %get3A_396 = arith.index_cast %add3A_392 : i32 to index
      %get3A_397 = tpu.vector_load %arg9[%get3A_396] {strides = array<i32>} : memref<16384xf32, #tpu.memory_space<vmem>>, vector<16xf32>,
      %get3A_398 = vector.shape_cast %get3A_397 : vector<16xf32> to vector<16xf32>
      %add3A_399 = arith.addf %get3A_395, %get3A_398 : vector<16xf32>
      %swap3A_400 = arith.index_cast %add3A_392 : i32 to index
      %swap3A_401 = tpu.vector_load %arg6[%swap3A_400] {strides = array<i32>} : memref<16384xf32, #tpu.memory_space<vmem>>, vector<16xf32>,
      %swap3A_402 = vector.shape_cast %swap3A_401 : vector<16xf32> to vector<16xf32>
      %swap3A_403 = vector.shape_cast %add3A_399 : vector<16xf32> to vector<16xf32>
      tpu.vector_store %arg6[%swap3A_400], %swap3A_403 {strides = array<i32>} : memref<16384xf32, #tpu.memory_space<vmem>>, vector<16xf32>,
      %add3A_404 = arith.constant 240 : i32
      %add3A_405 = arith.addi %mul3A_210, %add3A_404 : i32
      %get3A_406 = arith.index_cast %add3A_405 : i32 to index
      %get3A_407 = tpu.vector_load %arg6[%get3A_406] {strides = array<i32>} : memref<16384xf32, #tpu.memory_space<vmem>>, vector<16xf32>,
      %get3A_408 = vector.shape_cast %get3A_407 : vector<16xf32> to vector<16xf32>
      %get3A_409 = arith.index_cast %add3A_405 : i32 to index
      %get3A_410 = tpu.vector_load %arg9[%get3A_409] {strides = array<i32>} : memref<16384xf32, #tpu.memory_space<vmem>>, vector<16xf32>,
      %get3A_411 = vector.shape_cast %get3A_410 : vector<16xf32> to vector<16xf32>
      %add3A_412 = arith.addf %get3A_408, %get3A_411 : vector<16xf32>
      %swap3A_413 = arith.index_cast %add3A_405 : i32 to index
      %swap3A_414 = tpu.vector_load %arg6[%swap3A_413] {strides = array<i32>} : memref<16384xf32, #tpu.memory_space<vmem>>, vector<16xf32>,
      %swap3A_415 = vector.shape_cast %swap3A_414 : vector<16xf32> to vector<16xf32>
      %swap3A_416 = vector.shape_cast %add3A_412 : vector<16xf32> to vector<16xf32>
      tpu.vector_store %arg6[%swap3A_413], %swap3A_416 {strides = array<i32>} : memref<16384xf32, #tpu.memory_space<vmem>>, vector<16xf32>,
    }
    %scan3A_135 = arith.constant 64 : i32
    %add3A_136 = arith.constant 16 : i32
    %add3A_137 = arith.addi %add3A_42, %add3A_136 : i32
    %mul3A_138 = arith.constant 1024 : i32
    %mul3A_139 = arith.muli %add3A_137, %mul3A_138 : i32
    %dma_start3A_140 = tpu.memref_slice %arg4[%mul3A_139] : memref<2097152xf32, #tpu.memory_space<hbm>> -> memref<16384xf32, #tpu.memory_space<hbm>>
    %dma_start3A_141 = tpu.memref_slice %arg4[%mul3A_139] : memref<2097152xf32, #tpu.memory_space<hbm>> -> memref<16384xf32, #tpu.memory_space<hbm>>
    tpu.enqueue_dma source(%arg6 : memref<16384xf32, #tpu.memory_space<vmem>>) target(%dma_start3A_141 : memref<16384xf32, #tpu.memory_space<hbm>>) target_semaphore(%arg18 : memref<!tpu.dma_semaphore, #tpu.memory_space<semaphore_mem>>)
    %add3A_142 = arith.constant 32 : i32
    %add3A_143 = arith.addi %add3A_37, %add3A_142 : i32
    %mul3A_144 = arith.constant 1024 : i32
    %mul3A_145 = arith.muli %add3A_143, %mul3A_144 : i32
    %add3A_146 = arith.constant 32 : i32
    %add3A_147 = arith.addi %add3A_39, %add3A_146 : i32
    %mul3A_148 = arith.constant 1024 : i32
    %mul3A_149 = arith.muli %add3A_147, %mul3A_148 : i32
    %dma_wait3A_150 = tpu.memref_slice %arg2[%mul3A_145] : memref<16777216xf32, #tpu.memory_space<hbm>> -> memref<16384xf32, #tpu.memory_space<hbm>>
    %dma_wait3A_151 = tpu.memref_slice %arg2[%mul3A_145] : memref<16777216xf32, #tpu.memory_space<hbm>> -> memref<16384xf32, #tpu.memory_space<hbm>>
    tpu.wait_dma2 semaphore(%arg13 : memref<!tpu.dma_semaphore, #tpu.memory_space<semaphore_mem>>) src(%dma_wait3A_151 : memref<16384xf32, #tpu.memory_space<hbm>>) dst(%arg7 : memref<16384xf32, #tpu.memory_space<vmem>>)
    %dma_wait3A_152 = tpu.memref_slice %arg3[%mul3A_149] : memref<4194304xf32, #tpu.memory_space<hbm>> -> memref<16384xf32, #tpu.memory_space<hbm>>
    %dma_wait3A_153 = tpu.memref_slice %arg3[%mul3A_149] : memref<4194304xf32, #tpu.memory_space<hbm>> -> memref<16384xf32, #tpu.memory_space<hbm>>
    tpu.wait_dma2 semaphore(%arg16 : memref<!tpu.dma_semaphore, #tpu.memory_space<semaphore_mem>>) src(%dma_wait3A_153 : memref<16384xf32, #tpu.memory_space<hbm>>) dst(%arg10 : memref<16384xf32, #tpu.memory_space<vmem>>)
    %scan3A_154 = arith.constant 0 : i32
    %scan3A_155 = arith.constant 0 : i32
    %scan3A_156 = arith.constant 64 : i32
    %scan3A_157 = arith.addi %scan3A_155, %scan3A_156 : i32
    %scan3A_158 = arith.constant 1 : i32
    scf.for %scan3A_208 = %scan3A_155 to %scan3A_157 step %scan3A_158  : i32 {
      %mul3A_209 = arith.constant 256 : i32
      %mul3A_210 = arith.muli %scan3A_208, %mul3A_209 : i32
      %add3A_211 = arith.constant 0 : i32
      %add3A_212 = arith.addi %mul3A_210, %add3A_211 : i32
      %get3A = arith.index_cast %add3A_212 : i32 to index
      %get3A_213 = tpu.vector_load %arg7[%get3A] {strides = array<i32>} : memref<16384xf32, #tpu.memory_space<vmem>>, vector<16xf32>,
      %get3A_214 = vector.shape_cast %get3A_213 : vector<16xf32> to vector<16xf32>
      %get3A_215 = arith.index_cast %add3A_212 : i32 to index
      %get3A_216 = tpu.vector_load %arg10[%get3A_215] {strides = array<i32>} : memref<16384xf32, #tpu.memory_space<vmem>>, vector<16xf32>,
      %get3A_217 = vector.shape_cast %get3A_216 : vector<16xf32> to vector<16xf32>
      %add3A_218 = arith.addf %get3A_214, %get3A_217 : vector<16xf32>
      %swap3A = arith.index_cast %add3A_212 : i32 to index
      %swap3A_219 = tpu.vector_load %arg7[%swap3A] {strides = array<i32>} : memref<16384xf32, #tpu.memory_space<vmem>>, vector<16xf32>,
      %swap3A_220 = vector.shape_cast %swap3A_219 : vector<16xf32> to vector<16xf32>
      %swap3A_221 = vector.shape_cast %add3A_218 : vector<16xf32> to vector<16xf32>
      tpu.vector_store %arg7[%swap3A], %swap3A_221 {strides = array<i32>} : memref<16384xf32, #tpu.memory_space<vmem>>, vector<16xf32>,
      %add3A_222 = arith.constant 16 : i32
      %add3A_223 = arith.addi %mul3A_210, %add3A_222 : i32
      %get3A_224 = arith.index_cast %add3A_223 : i32 to index
      %get3A_225 = tpu.vector_load %arg7[%get3A_224] {strides = array<i32>} : memref<16384xf32, #tpu.memory_space<vmem>>, vector<16xf32>,
      %get3A_226 = vector.shape_cast %get3A_225 : vector<16xf32> to vector<16xf32>
      %get3A_227 = arith.index_cast %add3A_223 : i32 to index
      %get3A_228 = tpu.vector_load %arg10[%get3A_227] {strides = array<i32>} : memref<16384xf32, #tpu.memory_space<vmem>>, vector<16xf32>,
      %get3A_229 = vector.shape_cast %get3A_228 : vector<16xf32> to vector<16xf32>
      %add3A_230 = arith.addf %get3A_226, %get3A_229 : vector<16xf32>
      %swap3A_231 = arith.index_cast %add3A_223 : i32 to index
      %swap3A_232 = tpu.vector_load %arg7[%swap3A_231] {strides = array<i32>} : memref<16384xf32, #tpu.memory_space<vmem>>, vector<16xf32>,
      %swap3A_233 = vector.shape_cast %swap3A_232 : vector<16xf32> to vector<16xf32>
      %swap3A_234 = vector.shape_cast %add3A_230 : vector<16xf32> to vector<16xf32>
      tpu.vector_store %arg7[%swap3A_231], %swap3A_234 {strides = array<i32>} : memref<16384xf32, #tpu.memory_space<vmem>>, vector<16xf32>,
      %add3A_235 = arith.constant 32 : i32
      %add3A_236 = arith.addi %mul3A_210, %add3A_235 : i32
      %get3A_237 = arith.index_cast %add3A_236 : i32 to index
      %get3A_238 = tpu.vector_load %arg7[%get3A_237] {strides = array<i32>} : memref<16384xf32, #tpu.memory_space<vmem>>, vector<16xf32>,
      %get3A_239 = vector.shape_cast %get3A_238 : vector<16xf32> to vector<16xf32>
      %get3A_240 = arith.index_cast %add3A_236 : i32 to index
      %get3A_241 = tpu.vector_load %arg10[%get3A_240] {strides = array<i32>} : memref<16384xf32, #tpu.memory_space<vmem>>, vector<16xf32>,
      %get3A_242 = vector.shape_cast %get3A_241 : vector<16xf32> to vector<16xf32>
      %add3A_243 = arith.addf %get3A_239, %get3A_242 : vector<16xf32>
      %swap3A_244 = arith.index_cast %add3A_236 : i32 to index
      %swap3A_245 = tpu.vector_load %arg7[%swap3A_244] {strides = array<i32>} : memref<16384xf32, #tpu.memory_space<vmem>>, vector<16xf32>,
      %swap3A_246 = vector.shape_cast %swap3A_245 : vector<16xf32> to vector<16xf32>
      %swap3A_247 = vector.shape_cast %add3A_243 : vector<16xf32> to vector<16xf32>
      tpu.vector_store %arg7[%swap3A_244], %swap3A_247 {strides = array<i32>} : memref<16384xf32, #tpu.memory_space<vmem>>, vector<16xf32>,
      %add3A_248 = arith.constant 48 : i32
      %add3A_249 = arith.addi %mul3A_210, %add3A_248 : i32
      %get3A_250 = arith.index_cast %add3A_249 : i32 to index
      %get3A_251 = tpu.vector_load %arg7[%get3A_250] {strides = array<i32>} : memref<16384xf32, #tpu.memory_space<vmem>>, vector<16xf32>,
      %get3A_252 = vector.shape_cast %get3A_251 : vector<16xf32> to vector<16xf32>
      %get3A_253 = arith.index_cast %add3A_249 : i32 to index
      %get3A_254 = tpu.vector_load %arg10[%get3A_253] {strides = array<i32>} : memref<16384xf32, #tpu.memory_space<vmem>>, vector<16xf32>,
      %get3A_255 = vector.shape_cast %get3A_254 : vector<16xf32> to vector<16xf32>
      %add3A_256 = arith.addf %get3A_252, %get3A_255 : vector<16xf32>
      %swap3A_257 = arith.index_cast %add3A_249 : i32 to index
      %swap3A_258 = tpu.vector_load %arg7[%swap3A_257] {strides = array<i32>} : memref<16384xf32, #tpu.memory_space<vmem>>, vector<16xf32>,
      %swap3A_259 = vector.shape_cast %swap3A_258 : vector<16xf32> to vector<16xf32>
      %swap3A_260 = vector.shape_cast %add3A_256 : vector<16xf32> to vector<16xf32>
      tpu.vector_store %arg7[%swap3A_257], %swap3A_260 {strides = array<i32>} : memref<16384xf32, #tpu.memory_space<vmem>>, vector<16xf32>,
      %add3A_261 = arith.constant 64 : i32
      %add3A_262 = arith.addi %mul3A_210, %add3A_261 : i32
      %get3A_263 = arith.index_cast %add3A_262 : i32 to index
      %get3A_264 = tpu.vector_load %arg7[%get3A_263] {strides = array<i32>} : memref<16384xf32, #tpu.memory_space<vmem>>, vector<16xf32>,
      %get3A_265 = vector.shape_cast %get3A_264 : vector<16xf32> to vector<16xf32>
      %get3A_266 = arith.index_cast %add3A_262 : i32 to index
      %get3A_267 = tpu.vector_load %arg10[%get3A_266] {strides = array<i32>} : memref<16384xf32, #tpu.memory_space<vmem>>, vector<16xf32>,
      %get3A_268 = vector.shape_cast %get3A_267 : vector<16xf32> to vector<16xf32>
      %add3A_269 = arith.addf %get3A_265, %get3A_268 : vector<16xf32>
      %swap3A_270 = arith.index_cast %add3A_262 : i32 to index
      %swap3A_271 = tpu.vector_load %arg7[%swap3A_270] {strides = array<i32>} : memref<16384xf32, #tpu.memory_space<vmem>>, vector<16xf32>,
      %swap3A_272 = vector.shape_cast %swap3A_271 : vector<16xf32> to vector<16xf32>
      %swap3A_273 = vector.shape_cast %add3A_269 : vector<16xf32> to vector<16xf32>
      tpu.vector_store %arg7[%swap3A_270], %swap3A_273 {strides = array<i32>} : memref<16384xf32, #tpu.memory_space<vmem>>, vector<16xf32>,
      %add3A_274 = arith.constant 80 : i32
      %add3A_275 = arith.addi %mul3A_210, %add3A_274 : i32
      %get3A_276 = arith.index_cast %add3A_275 : i32 to index
      %get3A_277 = tpu.vector_load %arg7[%get3A_276] {strides = array<i32>} : memref<16384xf32, #tpu.memory_space<vmem>>, vector<16xf32>,
      %get3A_278 = vector.shape_cast %get3A_277 : vector<16xf32> to vector<16xf32>
      %get3A_279 = arith.index_cast %add3A_275 : i32 to index
      %get3A_280 = tpu.vector_load %arg10[%get3A_279] {strides = array<i32>} : memref<16384xf32, #tpu.memory_space<vmem>>, vector<16xf32>,
      %get3A_281 = vector.shape_cast %get3A_280 : vector<16xf32> to vector<16xf32>
      %add3A_282 = arith.addf %get3A_278, %get3A_281 : vector<16xf32>
      %swap3A_283 = arith.index_cast %add3A_275 : i32 to index
      %swap3A_284 = tpu.vector_load %arg7[%swap3A_283] {strides = array<i32>} : memref<16384xf32, #tpu.memory_space<vmem>>, vector<16xf32>,
      %swap3A_285 = vector.shape_cast %swap3A_284 : vector<16xf32> to vector<16xf32>
      %swap3A_286 = vector.shape_cast %add3A_282 : vector<16xf32> to vector<16xf32>
      tpu.vector_store %arg7[%swap3A_283], %swap3A_286 {strides = array<i32>} : memref<16384xf32, #tpu.memory_space<vmem>>, vector<16xf32>,
      %add3A_287 = arith.constant 96 : i32
      %add3A_288 = arith.addi %mul3A_210, %add3A_287 : i32
      %get3A_289 = arith.index_cast %add3A_288 : i32 to index
      %get3A_290 = tpu.vector_load %arg7[%get3A_289] {strides = array<i32>} : memref<16384xf32, #tpu.memory_space<vmem>>, vector<16xf32>,
      %get3A_291 = vector.shape_cast %get3A_290 : vector<16xf32> to vector<16xf32>
      %get3A_292 = arith.index_cast %add3A_288 : i32 to index
      %get3A_293 = tpu.vector_load %arg10[%get3A_292] {strides = array<i32>} : memref<16384xf32, #tpu.memory_space<vmem>>, vector<16xf32>,
      %get3A_294 = vector.shape_cast %get3A_293 : vector<16xf32> to vector<16xf32>
      %add3A_295 = arith.addf %get3A_291, %get3A_294 : vector<16xf32>
      %swap3A_296 = arith.index_cast %add3A_288 : i32 to index
      %swap3A_297 = tpu.vector_load %arg7[%swap3A_296] {strides = array<i32>} : memref<16384xf32, #tpu.memory_space<vmem>>, vector<16xf32>,
      %swap3A_298 = vector.shape_cast %swap3A_297 : vector<16xf32> to vector<16xf32>
      %swap3A_299 = vector.shape_cast %add3A_295 : vector<16xf32> to vector<16xf32>
      tpu.vector_store %arg7[%swap3A_296], %swap3A_299 {strides = array<i32>} : memref<16384xf32, #tpu.memory_space<vmem>>, vector<16xf32>,
      %add3A_300 = arith.constant 112 : i32
      %add3A_301 = arith.addi %mul3A_210, %add3A_300 : i32
      %get3A_302 = arith.index_cast %add3A_301 : i32 to index
      %get3A_303 = tpu.vector_load %arg7[%get3A_302] {strides = array<i32>} : memref<16384xf32, #tpu.memory_space<vmem>>, vector<16xf32>,
      %get3A_304 = vector.shape_cast %get3A_303 : vector<16xf32> to vector<16xf32>
      %get3A_305 = arith.index_cast %add3A_301 : i32 to index
      %get3A_306 = tpu.vector_load %arg10[%get3A_305] {strides = array<i32>} : memref<16384xf32, #tpu.memory_space<vmem>>, vector<16xf32>,
      %get3A_307 = vector.shape_cast %get3A_306 : vector<16xf32> to vector<16xf32>
      %add3A_308 = arith.addf %get3A_304, %get3A_307 : vector<16xf32>
      %swap3A_309 = arith.index_cast %add3A_301 : i32 to index
      %swap3A_310 = tpu.vector_load %arg7[%swap3A_309] {strides = array<i32>} : memref<16384xf32, #tpu.memory_space<vmem>>, vector<16xf32>,
      %swap3A_311 = vector.shape_cast %swap3A_310 : vector<16xf32> to vector<16xf32>
      %swap3A_312 = vector.shape_cast %add3A_308 : vector<16xf32> to vector<16xf32>
      tpu.vector_store %arg7[%swap3A_309], %swap3A_312 {strides = array<i32>} : memref<16384xf32, #tpu.memory_space<vmem>>, vector<16xf32>,
      %add3A_313 = arith.constant 128 : i32
      %add3A_314 = arith.addi %mul3A_210, %add3A_313 : i32
      %get3A_315 = arith.index_cast %add3A_314 : i32 to index
      %get3A_316 = tpu.vector_load %arg7[%get3A_315] {strides = array<i32>} : memref<16384xf32, #tpu.memory_space<vmem>>, vector<16xf32>,
      %get3A_317 = vector.shape_cast %get3A_316 : vector<16xf32> to vector<16xf32>
      %get3A_318 = arith.index_cast %add3A_314 : i32 to index
      %get3A_319 = tpu.vector_load %arg10[%get3A_318] {strides = array<i32>} : memref<16384xf32, #tpu.memory_space<vmem>>, vector<16xf32>,
      %get3A_320 = vector.shape_cast %get3A_319 : vector<16xf32> to vector<16xf32>
      %add3A_321 = arith.addf %get3A_317, %get3A_320 : vector<16xf32>
      %swap3A_322 = arith.index_cast %add3A_314 : i32 to index
      %swap3A_323 = tpu.vector_load %arg7[%swap3A_322] {strides = array<i32>} : memref<16384xf32, #tpu.memory_space<vmem>>, vector<16xf32>,
      %swap3A_324 = vector.shape_cast %swap3A_323 : vector<16xf32> to vector<16xf32>
      %swap3A_325 = vector.shape_cast %add3A_321 : vector<16xf32> to vector<16xf32>
      tpu.vector_store %arg7[%swap3A_322], %swap3A_325 {strides = array<i32>} : memref<16384xf32, #tpu.memory_space<vmem>>, vector<16xf32>,
      %add3A_326 = arith.constant 144 : i32
      %add3A_327 = arith.addi %mul3A_210, %add3A_326 : i32
      %get3A_328 = arith.index_cast %add3A_327 : i32 to index
      %get3A_329 = tpu.vector_load %arg7[%get3A_328] {strides = array<i32>} : memref<16384xf32, #tpu.memory_space<vmem>>, vector<16xf32>,
      %get3A_330 = vector.shape_cast %get3A_329 : vector<16xf32> to vector<16xf32>
      %get3A_331 = arith.index_cast %add3A_327 : i32 to index
      %get3A_332 = tpu.vector_load %arg10[%get3A_331] {strides = array<i32>} : memref<16384xf32, #tpu.memory_space<vmem>>, vector<16xf32>,
      %get3A_333 = vector.shape_cast %get3A_332 : vector<16xf32> to vector<16xf32>
      %add3A_334 = arith.addf %get3A_330, %get3A_333 : vector<16xf32>
      %swap3A_335 = arith.index_cast %add3A_327 : i32 to index
      %swap3A_336 = tpu.vector_load %arg7[%swap3A_335] {strides = array<i32>} : memref<16384xf32, #tpu.memory_space<vmem>>, vector<16xf32>,
      %swap3A_337 = vector.shape_cast %swap3A_336 : vector<16xf32> to vector<16xf32>
      %swap3A_338 = vector.shape_cast %add3A_334 : vector<16xf32> to vector<16xf32>
      tpu.vector_store %arg7[%swap3A_335], %swap3A_338 {strides = array<i32>} : memref<16384xf32, #tpu.memory_space<vmem>>, vector<16xf32>,
      %add3A_339 = arith.constant 160 : i32
      %add3A_340 = arith.addi %mul3A_210, %add3A_339 : i32
      %get3A_341 = arith.index_cast %add3A_340 : i32 to index
      %get3A_342 = tpu.vector_load %arg7[%get3A_341] {strides = array<i32>} : memref<16384xf32, #tpu.memory_space<vmem>>, vector<16xf32>,
      %get3A_343 = vector.shape_cast %get3A_342 : vector<16xf32> to vector<16xf32>
      %get3A_344 = arith.index_cast %add3A_340 : i32 to index
      %get3A_345 = tpu.vector_load %arg10[%get3A_344] {strides = array<i32>} : memref<16384xf32, #tpu.memory_space<vmem>>, vector<16xf32>,
      %get3A_346 = vector.shape_cast %get3A_345 : vector<16xf32> to vector<16xf32>
      %add3A_347 = arith.addf %get3A_343, %get3A_346 : vector<16xf32>
      %swap3A_348 = arith.index_cast %add3A_340 : i32 to index
      %swap3A_349 = tpu.vector_load %arg7[%swap3A_348] {strides = array<i32>} : memref<16384xf32, #tpu.memory_space<vmem>>, vector<16xf32>,
      %swap3A_350 = vector.shape_cast %swap3A_349 : vector<16xf32> to vector<16xf32>
      %swap3A_351 = vector.shape_cast %add3A_347 : vector<16xf32> to vector<16xf32>
      tpu.vector_store %arg7[%swap3A_348], %swap3A_351 {strides = array<i32>} : memref<16384xf32, #tpu.memory_space<vmem>>, vector<16xf32>,
      %add3A_352 = arith.constant 176 : i32
      %add3A_353 = arith.addi %mul3A_210, %add3A_352 : i32
      %get3A_354 = arith.index_cast %add3A_353 : i32 to index
      %get3A_355 = tpu.vector_load %arg7[%get3A_354] {strides = array<i32>} : memref<16384xf32, #tpu.memory_space<vmem>>, vector<16xf32>,
      %get3A_356 = vector.shape_cast %get3A_355 : vector<16xf32> to vector<16xf32>
      %get3A_357 = arith.index_cast %add3A_353 : i32 to index
      %get3A_358 = tpu.vector_load %arg10[%get3A_357] {strides = array<i32>} : memref<16384xf32, #tpu.memory_space<vmem>>, vector<16xf32>,
      %get3A_359 = vector.shape_cast %get3A_358 : vector<16xf32> to vector<16xf32>
      %add3A_360 = arith.addf %get3A_356, %get3A_359 : vector<16xf32>
      %swap3A_361 = arith.index_cast %add3A_353 : i32 to index
      %swap3A_362 = tpu.vector_load %arg7[%swap3A_361] {strides = array<i32>} : memref<16384xf32, #tpu.memory_space<vmem>>, vector<16xf32>,
      %swap3A_363 = vector.shape_cast %swap3A_362 : vector<16xf32> to vector<16xf32>
      %swap3A_364 = vector.shape_cast %add3A_360 : vector<16xf32> to vector<16xf32>
      tpu.vector_store %arg7[%swap3A_361], %swap3A_364 {strides = array<i32>} : memref<16384xf32, #tpu.memory_space<vmem>>, vector<16xf32>,
      %add3A_365 = arith.constant 192 : i32
      %add3A_366 = arith.addi %mul3A_210, %add3A_365 : i32
      %get3A_367 = arith.index_cast %add3A_366 : i32 to index
      %get3A_368 = tpu.vector_load %arg7[%get3A_367] {strides = array<i32>} : memref<16384xf32, #tpu.memory_space<vmem>>, vector<16xf32>,
      %get3A_369 = vector.shape_cast %get3A_368 : vector<16xf32> to vector<16xf32>
      %get3A_370 = arith.index_cast %add3A_366 : i32 to index
      %get3A_371 = tpu.vector_load %arg10[%get3A_370] {strides = array<i32>} : memref<16384xf32, #tpu.memory_space<vmem>>, vector<16xf32>,
      %get3A_372 = vector.shape_cast %get3A_371 : vector<16xf32> to vector<16xf32>
      %add3A_373 = arith.addf %get3A_369, %get3A_372 : vector<16xf32>
      %swap3A_374 = arith.index_cast %add3A_366 : i32 to index
      %swap3A_375 = tpu.vector_load %arg7[%swap3A_374] {strides = array<i32>} : memref<16384xf32, #tpu.memory_space<vmem>>, vector<16xf32>,
      %swap3A_376 = vector.shape_cast %swap3A_375 : vector<16xf32> to vector<16xf32>
      %swap3A_377 = vector.shape_cast %add3A_373 : vector<16xf32> to vector<16xf32>
      tpu.vector_store %arg7[%swap3A_374], %swap3A_377 {strides = array<i32>} : memref<16384xf32, #tpu.memory_space<vmem>>, vector<16xf32>,
      %add3A_378 = arith.constant 208 : i32
      %add3A_379 = arith.addi %mul3A_210, %add3A_378 : i32
      %get3A_380 = arith.index_cast %add3A_379 : i32 to index
      %get3A_381 = tpu.vector_load %arg7[%get3A_380] {strides = array<i32>} : memref<16384xf32, #tpu.memory_space<vmem>>, vector<16xf32>,
      %get3A_382 = vector.shape_cast %get3A_381 : vector<16xf32> to vector<16xf32>
      %get3A_383 = arith.index_cast %add3A_379 : i32 to index
      %get3A_384 = tpu.vector_load %arg10[%get3A_383] {strides = array<i32>} : memref<16384xf32, #tpu.memory_space<vmem>>, vector<16xf32>,
      %get3A_385 = vector.shape_cast %get3A_384 : vector<16xf32> to vector<16xf32>
      %add3A_386 = arith.addf %get3A_382, %get3A_385 : vector<16xf32>
      %swap3A_387 = arith.index_cast %add3A_379 : i32 to index
      %swap3A_388 = tpu.vector_load %arg7[%swap3A_387] {strides = array<i32>} : memref<16384xf32, #tpu.memory_space<vmem>>, vector<16xf32>,
      %swap3A_389 = vector.shape_cast %swap3A_388 : vector<16xf32> to vector<16xf32>
      %swap3A_390 = vector.shape_cast %add3A_386 : vector<16xf32> to vector<16xf32>
      tpu.vector_store %arg7[%swap3A_387], %swap3A_390 {strides = array<i32>} : memref<16384xf32, #tpu.memory_space<vmem>>, vector<16xf32>,
      %add3A_391 = arith.constant 224 : i32
      %add3A_392 = arith.addi %mul3A_210, %add3A_391 : i32
      %get3A_393 = arith.index_cast %add3A_392 : i32 to index
      %get3A_394 = tpu.vector_load %arg7[%get3A_393] {strides = array<i32>} : memref<16384xf32, #tpu.memory_space<vmem>>, vector<16xf32>,
      %get3A_395 = vector.shape_cast %get3A_394 : vector<16xf32> to vector<16xf32>
      %get3A_396 = arith.index_cast %add3A_392 : i32 to index
      %get3A_397 = tpu.vector_load %arg10[%get3A_396] {strides = array<i32>} : memref<16384xf32, #tpu.memory_space<vmem>>, vector<16xf32>,
      %get3A_398 = vector.shape_cast %get3A_397 : vector<16xf32> to vector<16xf32>
      %add3A_399 = arith.addf %get3A_395, %get3A_398 : vector<16xf32>
      %swap3A_400 = arith.index_cast %add3A_392 : i32 to index
      %swap3A_401 = tpu.vector_load %arg7[%swap3A_400] {strides = array<i32>} : memref<16384xf32, #tpu.memory_space<vmem>>, vector<16xf32>,
      %swap3A_402 = vector.shape_cast %swap3A_401 : vector<16xf32> to vector<16xf32>
      %swap3A_403 = vector.shape_cast %add3A_399 : vector<16xf32> to vector<16xf32>
      tpu.vector_store %arg7[%swap3A_400], %swap3A_403 {strides = array<i32>} : memref<16384xf32, #tpu.memory_space<vmem>>, vector<16xf32>,
      %add3A_404 = arith.constant 240 : i32
      %add3A_405 = arith.addi %mul3A_210, %add3A_404 : i32
      %get3A_406 = arith.index_cast %add3A_405 : i32 to index
      %get3A_407 = tpu.vector_load %arg7[%get3A_406] {strides = array<i32>} : memref<16384xf32, #tpu.memory_space<vmem>>, vector<16xf32>,
      %get3A_408 = vector.shape_cast %get3A_407 : vector<16xf32> to vector<16xf32>
      %get3A_409 = arith.index_cast %add3A_405 : i32 to index
      %get3A_410 = tpu.vector_load %arg10[%get3A_409] {strides = array<i32>} : memref<16384xf32, #tpu.memory_space<vmem>>, vector<16xf32>,
      %get3A_411 = vector.shape_cast %get3A_410 : vector<16xf32> to vector<16xf32>
      %add3A_412 = arith.addf %get3A_408, %get3A_411 : vector<16xf32>
      %swap3A_413 = arith.index_cast %add3A_405 : i32 to index
      %swap3A_414 = tpu.vector_load %arg7[%swap3A_413] {strides = array<i32>} : memref<16384xf32, #tpu.memory_space<vmem>>, vector<16xf32>,
      %swap3A_415 = vector.shape_cast %swap3A_414 : vector<16xf32> to vector<16xf32>
      %swap3A_416 = vector.shape_cast %add3A_412 : vector<16xf32> to vector<16xf32>
      tpu.vector_store %arg7[%swap3A_413], %swap3A_416 {strides = array<i32>} : memref<16384xf32, #tpu.memory_space<vmem>>, vector<16xf32>,
    }
    %scan3A_159 = arith.constant 64 : i32
    %add3A_160 = arith.constant 32 : i32
    %add3A_161 = arith.addi %add3A_42, %add3A_160 : i32
    %mul3A_162 = arith.constant 1024 : i32
    %mul3A_163 = arith.muli %add3A_161, %mul3A_162 : i32
    %dma_start3A_164 = tpu.memref_slice %arg4[%mul3A_163] : memref<2097152xf32, #tpu.memory_space<hbm>> -> memref<16384xf32, #tpu.memory_space<hbm>>
    %dma_start3A_165 = tpu.memref_slice %arg4[%mul3A_163] : memref<2097152xf32, #tpu.memory_space<hbm>> -> memref<16384xf32, #tpu.memory_space<hbm>>
    tpu.enqueue_dma source(%arg7 : memref<16384xf32, #tpu.memory_space<vmem>>) target(%dma_start3A_165 : memref<16384xf32, #tpu.memory_space<hbm>>) target_semaphore(%arg19 : memref<!tpu.dma_semaphore, #tpu.memory_space<semaphore_mem>>)
    %add3A_166 = arith.constant 48 : i32
    %add3A_167 = arith.addi %add3A_37, %add3A_166 : i32
    %mul3A_168 = arith.constant 1024 : i32
    %mul3A_169 = arith.muli %add3A_167, %mul3A_168 : i32
    %add3A_170 = arith.constant 48 : i32
    %add3A_171 = arith.addi %add3A_39, %add3A_170 : i32
    %mul3A_172 = arith.constant 1024 : i32
    %mul3A_173 = arith.muli %add3A_171, %mul3A_172 : i32
    %dma_wait3A_174 = tpu.memref_slice %arg2[%mul3A_169] : memref<16777216xf32, #tpu.memory_space<hbm>> -> memref<16384xf32, #tpu.memory_space<hbm>>
    %dma_wait3A_175 = tpu.memref_slice %arg2[%mul3A_169] : memref<16777216xf32, #tpu.memory_space<hbm>> -> memref<16384xf32, #tpu.memory_space<hbm>>
    tpu.wait_dma2 semaphore(%arg11 : memref<!tpu.dma_semaphore, #tpu.memory_space<semaphore_mem>>) src(%dma_wait3A_175 : memref<16384xf32, #tpu.memory_space<hbm>>) dst(%arg5 : memref<16384xf32, #tpu.memory_space<vmem>>)
    %dma_wait3A_176 = tpu.memref_slice %arg3[%mul3A_173] : memref<4194304xf32, #tpu.memory_space<hbm>> -> memref<16384xf32, #tpu.memory_space<hbm>>
    %dma_wait3A_177 = tpu.memref_slice %arg3[%mul3A_173] : memref<4194304xf32, #tpu.memory_space<hbm>> -> memref<16384xf32, #tpu.memory_space<hbm>>
    tpu.wait_dma2 semaphore(%arg14 : memref<!tpu.dma_semaphore, #tpu.memory_space<semaphore_mem>>) src(%dma_wait3A_177 : memref<16384xf32, #tpu.memory_space<hbm>>) dst(%arg8 : memref<16384xf32, #tpu.memory_space<vmem>>)
    %scan3A_178 = arith.constant 0 : i32
    %scan3A_179 = arith.constant 0 : i32
    %scan3A_180 = arith.constant 64 : i32
    %scan3A_181 = arith.addi %scan3A_179, %scan3A_180 : i32
    %scan3A_182 = arith.constant 1 : i32
    scf.for %scan3A_208 = %scan3A_179 to %scan3A_181 step %scan3A_182  : i32 {
      %mul3A_209 = arith.constant 256 : i32
      %mul3A_210 = arith.muli %scan3A_208, %mul3A_209 : i32
      %add3A_211 = arith.constant 0 : i32
      %add3A_212 = arith.addi %mul3A_210, %add3A_211 : i32
      %get3A = arith.index_cast %add3A_212 : i32 to index
      %get3A_213 = tpu.vector_load %arg5[%get3A] {strides = array<i32>} : memref<16384xf32, #tpu.memory_space<vmem>>, vector<16xf32>,
      %get3A_214 = vector.shape_cast %get3A_213 : vector<16xf32> to vector<16xf32>
      %get3A_215 = arith.index_cast %add3A_212 : i32 to index
      %get3A_216 = tpu.vector_load %arg8[%get3A_215] {strides = array<i32>} : memref<16384xf32, #tpu.memory_space<vmem>>, vector<16xf32>,
      %get3A_217 = vector.shape_cast %get3A_216 : vector<16xf32> to vector<16xf32>
      %add3A_218 = arith.addf %get3A_214, %get3A_217 : vector<16xf32>
      %swap3A = arith.index_cast %add3A_212 : i32 to index
      %swap3A_219 = tpu.vector_load %arg5[%swap3A] {strides = array<i32>} : memref<16384xf32, #tpu.memory_space<vmem>>, vector<16xf32>,
      %swap3A_220 = vector.shape_cast %swap3A_219 : vector<16xf32> to vector<16xf32>
      %swap3A_221 = vector.shape_cast %add3A_218 : vector<16xf32> to vector<16xf32>
      tpu.vector_store %arg5[%swap3A], %swap3A_221 {strides = array<i32>} : memref<16384xf32, #tpu.memory_space<vmem>>, vector<16xf32>,
      %add3A_222 = arith.constant 16 : i32
      %add3A_223 = arith.addi %mul3A_210, %add3A_222 : i32
      %get3A_224 = arith.index_cast %add3A_223 : i32 to index
      %get3A_225 = tpu.vector_load %arg5[%get3A_224] {strides = array<i32>} : memref<16384xf32, #tpu.memory_space<vmem>>, vector<16xf32>,
      %get3A_226 = vector.shape_cast %get3A_225 : vector<16xf32> to vector<16xf32>
      %get3A_227 = arith.index_cast %add3A_223 : i32 to index
      %get3A_228 = tpu.vector_load %arg8[%get3A_227] {strides = array<i32>} : memref<16384xf32, #tpu.memory_space<vmem>>, vector<16xf32>,
      %get3A_229 = vector.shape_cast %get3A_228 : vector<16xf32> to vector<16xf32>
      %add3A_230 = arith.addf %get3A_226, %get3A_229 : vector<16xf32>
      %swap3A_231 = arith.index_cast %add3A_223 : i32 to index
      %swap3A_232 = tpu.vector_load %arg5[%swap3A_231] {strides = array<i32>} : memref<16384xf32, #tpu.memory_space<vmem>>, vector<16xf32>,
      %swap3A_233 = vector.shape_cast %swap3A_232 : vector<16xf32> to vector<16xf32>
      %swap3A_234 = vector.shape_cast %add3A_230 : vector<16xf32> to vector<16xf32>
      tpu.vector_store %arg5[%swap3A_231], %swap3A_234 {strides = array<i32>} : memref<16384xf32, #tpu.memory_space<vmem>>, vector<16xf32>,
      %add3A_235 = arith.constant 32 : i32
      %add3A_236 = arith.addi %mul3A_210, %add3A_235 : i32
      %get3A_237 = arith.index_cast %add3A_236 : i32 to index
      %get3A_238 = tpu.vector_load %arg5[%get3A_237] {strides = array<i32>} : memref<16384xf32, #tpu.memory_space<vmem>>, vector<16xf32>,
      %get3A_239 = vector.shape_cast %get3A_238 : vector<16xf32> to vector<16xf32>
      %get3A_240 = arith.index_cast %add3A_236 : i32 to index
      %get3A_241 = tpu.vector_load %arg8[%get3A_240] {strides = array<i32>} : memref<16384xf32, #tpu.memory_space<vmem>>, vector<16xf32>,
      %get3A_242 = vector.shape_cast %get3A_241 : vector<16xf32> to vector<16xf32>
      %add3A_243 = arith.addf %get3A_239, %get3A_242 : vector<16xf32>
      %swap3A_244 = arith.index_cast %add3A_236 : i32 to index
      %swap3A_245 = tpu.vector_load %arg5[%swap3A_244] {strides = array<i32>} : memref<16384xf32, #tpu.memory_space<vmem>>, vector<16xf32>,
      %swap3A_246 = vector.shape_cast %swap3A_245 : vector<16xf32> to vector<16xf32>
      %swap3A_247 = vector.shape_cast %add3A_243 : vector<16xf32> to vector<16xf32>
      tpu.vector_store %arg5[%swap3A_244], %swap3A_247 {strides = array<i32>} : memref<16384xf32, #tpu.memory_space<vmem>>, vector<16xf32>,
      %add3A_248 = arith.constant 48 : i32
      %add3A_249 = arith.addi %mul3A_210, %add3A_248 : i32
      %get3A_250 = arith.index_cast %add3A_249 : i32 to index
      %get3A_251 = tpu.vector_load %arg5[%get3A_250] {strides = array<i32>} : memref<16384xf32, #tpu.memory_space<vmem>>, vector<16xf32>,
      %get3A_252 = vector.shape_cast %get3A_251 : vector<16xf32> to vector<16xf32>
      %get3A_253 = arith.index_cast %add3A_249 : i32 to index
      %get3A_254 = tpu.vector_load %arg8[%get3A_253] {strides = array<i32>} : memref<16384xf32, #tpu.memory_space<vmem>>, vector<16xf32>,
      %get3A_255 = vector.shape_cast %get3A_254 : vector<16xf32> to vector<16xf32>
      %add3A_256 = arith.addf %get3A_252, %get3A_255 : vector<16xf32>
      %swap3A_257 = arith.index_cast %add3A_249 : i32 to index
      %swap3A_258 = tpu.vector_load %arg5[%swap3A_257] {strides = array<i32>} : memref<16384xf32, #tpu.memory_space<vmem>>, vector<16xf32>,
      %swap3A_259 = vector.shape_cast %swap3A_258 : vector<16xf32> to vector<16xf32>
      %swap3A_260 = vector.shape_cast %add3A_256 : vector<16xf32> to vector<16xf32>
      tpu.vector_store %arg5[%swap3A_257], %swap3A_260 {strides = array<i32>} : memref<16384xf32, #tpu.memory_space<vmem>>, vector<16xf32>,
      %add3A_261 = arith.constant 64 : i32
      %add3A_262 = arith.addi %mul3A_210, %add3A_261 : i32
      %get3A_263 = arith.index_cast %add3A_262 : i32 to index
      %get3A_264 = tpu.vector_load %arg5[%get3A_263] {strides = array<i32>} : memref<16384xf32, #tpu.memory_space<vmem>>, vector<16xf32>,
      %get3A_265 = vector.shape_cast %get3A_264 : vector<16xf32> to vector<16xf32>
      %get3A_266 = arith.index_cast %add3A_262 : i32 to index
      %get3A_267 = tpu.vector_load %arg8[%get3A_266] {strides = array<i32>} : memref<16384xf32, #tpu.memory_space<vmem>>, vector<16xf32>,
      %get3A_268 = vector.shape_cast %get3A_267 : vector<16xf32> to vector<16xf32>
      %add3A_269 = arith.addf %get3A_265, %get3A_268 : vector<16xf32>
      %swap3A_270 = arith.index_cast %add3A_262 : i32 to index
      %swap3A_271 = tpu.vector_load %arg5[%swap3A_270] {strides = array<i32>} : memref<16384xf32, #tpu.memory_space<vmem>>, vector<16xf32>,
      %swap3A_272 = vector.shape_cast %swap3A_271 : vector<16xf32> to vector<16xf32>
      %swap3A_273 = vector.shape_cast %add3A_269 : vector<16xf32> to vector<16xf32>
      tpu.vector_store %arg5[%swap3A_270], %swap3A_273 {strides = array<i32>} : memref<16384xf32, #tpu.memory_space<vmem>>, vector<16xf32>,
      %add3A_274 = arith.constant 80 : i32
      %add3A_275 = arith.addi %mul3A_210, %add3A_274 : i32
      %get3A_276 = arith.index_cast %add3A_275 : i32 to index
      %get3A_277 = tpu.vector_load %arg5[%get3A_276] {strides = array<i32>} : memref<16384xf32, #tpu.memory_space<vmem>>, vector<16xf32>,
      %get3A_278 = vector.shape_cast %get3A_277 : vector<16xf32> to vector<16xf32>
      %get3A_279 = arith.index_cast %add3A_275 : i32 to index
      %get3A_280 = tpu.vector_load %arg8[%get3A_279] {strides = array<i32>} : memref<16384xf32, #tpu.memory_space<vmem>>, vector<16xf32>,
      %get3A_281 = vector.shape_cast %get3A_280 : vector<16xf32> to vector<16xf32>
      %add3A_282 = arith.addf %get3A_278, %get3A_281 : vector<16xf32>
      %swap3A_283 = arith.index_cast %add3A_275 : i32 to index
      %swap3A_284 = tpu.vector_load %arg5[%swap3A_283] {strides = array<i32>} : memref<16384xf32, #tpu.memory_space<vmem>>, vector<16xf32>,
      %swap3A_285 = vector.shape_cast %swap3A_284 : vector<16xf32> to vector<16xf32>
      %swap3A_286 = vector.shape_cast %add3A_282 : vector<16xf32> to vector<16xf32>
      tpu.vector_store %arg5[%swap3A_283], %swap3A_286 {strides = array<i32>} : memref<16384xf32, #tpu.memory_space<vmem>>, vector<16xf32>,
      %add3A_287 = arith.constant 96 : i32
      %add3A_288 = arith.addi %mul3A_210, %add3A_287 : i32
      %get3A_289 = arith.index_cast %add3A_288 : i32 to index
      %get3A_290 = tpu.vector_load %arg5[%get3A_289] {strides = array<i32>} : memref<16384xf32, #tpu.memory_space<vmem>>, vector<16xf32>,
      %get3A_291 = vector.shape_cast %get3A_290 : vector<16xf32> to vector<16xf32>
      %get3A_292 = arith.index_cast %add3A_288 : i32 to index
      %get3A_293 = tpu.vector_load %arg8[%get3A_292] {strides = array<i32>} : memref<16384xf32, #tpu.memory_space<vmem>>, vector<16xf32>,
      %get3A_294 = vector.shape_cast %get3A_293 : vector<16xf32> to vector<16xf32>
      %add3A_295 = arith.addf %get3A_291, %get3A_294 : vector<16xf32>
      %swap3A_296 = arith.index_cast %add3A_288 : i32 to index
      %swap3A_297 = tpu.vector_load %arg5[%swap3A_296] {strides = array<i32>} : memref<16384xf32, #tpu.memory_space<vmem>>, vector<16xf32>,
      %swap3A_298 = vector.shape_cast %swap3A_297 : vector<16xf32> to vector<16xf32>
      %swap3A_299 = vector.shape_cast %add3A_295 : vector<16xf32> to vector<16xf32>
      tpu.vector_store %arg5[%swap3A_296], %swap3A_299 {strides = array<i32>} : memref<16384xf32, #tpu.memory_space<vmem>>, vector<16xf32>,
      %add3A_300 = arith.constant 112 : i32
      %add3A_301 = arith.addi %mul3A_210, %add3A_300 : i32
      %get3A_302 = arith.index_cast %add3A_301 : i32 to index
      %get3A_303 = tpu.vector_load %arg5[%get3A_302] {strides = array<i32>} : memref<16384xf32, #tpu.memory_space<vmem>>, vector<16xf32>,
      %get3A_304 = vector.shape_cast %get3A_303 : vector<16xf32> to vector<16xf32>
      %get3A_305 = arith.index_cast %add3A_301 : i32 to index
      %get3A_306 = tpu.vector_load %arg8[%get3A_305] {strides = array<i32>} : memref<16384xf32, #tpu.memory_space<vmem>>, vector<16xf32>,
      %get3A_307 = vector.shape_cast %get3A_306 : vector<16xf32> to vector<16xf32>
      %add3A_308 = arith.addf %get3A_304, %get3A_307 : vector<16xf32>
      %swap3A_309 = arith.index_cast %add3A_301 : i32 to index
      %swap3A_310 = tpu.vector_load %arg5[%swap3A_309] {strides = array<i32>} : memref<16384xf32, #tpu.memory_space<vmem>>, vector<16xf32>,
      %swap3A_311 = vector.shape_cast %swap3A_310 : vector<16xf32> to vector<16xf32>
      %swap3A_312 = vector.shape_cast %add3A_308 : vector<16xf32> to vector<16xf32>
      tpu.vector_store %arg5[%swap3A_309], %swap3A_312 {strides = array<i32>} : memref<16384xf32, #tpu.memory_space<vmem>>, vector<16xf32>,
      %add3A_313 = arith.constant 128 : i32
      %add3A_314 = arith.addi %mul3A_210, %add3A_313 : i32
      %get3A_315 = arith.index_cast %add3A_314 : i32 to index
      %get3A_316 = tpu.vector_load %arg5[%get3A_315] {strides = array<i32>} : memref<16384xf32, #tpu.memory_space<vmem>>, vector<16xf32>,
      %get3A_317 = vector.shape_cast %get3A_316 : vector<16xf32> to vector<16xf32>
      %get3A_318 = arith.index_cast %add3A_314 : i32 to index
      %get3A_319 = tpu.vector_load %arg8[%get3A_318] {strides = array<i32>} : memref<16384xf32, #tpu.memory_space<vmem>>, vector<16xf32>,
      %get3A_320 = vector.shape_cast %get3A_319 : vector<16xf32> to vector<16xf32>
      %add3A_321 = arith.addf %get3A_317, %get3A_320 : vector<16xf32>
      %swap3A_322 = arith.index_cast %add3A_314 : i32 to index
      %swap3A_323 = tpu.vector_load %arg5[%swap3A_322] {strides = array<i32>} : memref<16384xf32, #tpu.memory_space<vmem>>, vector<16xf32>,
      %swap3A_324 = vector.shape_cast %swap3A_323 : vector<16xf32> to vector<16xf32>
      %swap3A_325 = vector.shape_cast %add3A_321 : vector<16xf32> to vector<16xf32>
      tpu.vector_store %arg5[%swap3A_322], %swap3A_325 {strides = array<i32>} : memref<16384xf32, #tpu.memory_space<vmem>>, vector<16xf32>,
      %add3A_326 = arith.constant 144 : i32
      %add3A_327 = arith.addi %mul3A_210, %add3A_326 : i32
      %get3A_328 = arith.index_cast %add3A_327 : i32 to index
      %get3A_329 = tpu.vector_load %arg5[%get3A_328] {strides = array<i32>} : memref<16384xf32, #tpu.memory_space<vmem>>, vector<16xf32>,
      %get3A_330 = vector.shape_cast %get3A_329 : vector<16xf32> to vector<16xf32>
      %get3A_331 = arith.index_cast %add3A_327 : i32 to index
      %get3A_332 = tpu.vector_load %arg8[%get3A_331] {strides = array<i32>} : memref<16384xf32, #tpu.memory_space<vmem>>, vector<16xf32>,
      %get3A_333 = vector.shape_cast %get3A_332 : vector<16xf32> to vector<16xf32>
      %add3A_334 = arith.addf %get3A_330, %get3A_333 : vector<16xf32>
      %swap3A_335 = arith.index_cast %add3A_327 : i32 to index
      %swap3A_336 = tpu.vector_load %arg5[%swap3A_335] {strides = array<i32>} : memref<16384xf32, #tpu.memory_space<vmem>>, vector<16xf32>,
      %swap3A_337 = vector.shape_cast %swap3A_336 : vector<16xf32> to vector<16xf32>
      %swap3A_338 = vector.shape_cast %add3A_334 : vector<16xf32> to vector<16xf32>
      tpu.vector_store %arg5[%swap3A_335], %swap3A_338 {strides = array<i32>} : memref<16384xf32, #tpu.memory_space<vmem>>, vector<16xf32>,
      %add3A_339 = arith.constant 160 : i32
      %add3A_340 = arith.addi %mul3A_210, %add3A_339 : i32
      %get3A_341 = arith.index_cast %add3A_340 : i32 to index
      %get3A_342 = tpu.vector_load %arg5[%get3A_341] {strides = array<i32>} : memref<16384xf32, #tpu.memory_space<vmem>>, vector<16xf32>,
      %get3A_343 = vector.shape_cast %get3A_342 : vector<16xf32> to vector<16xf32>
      %get3A_344 = arith.index_cast %add3A_340 : i32 to index
      %get3A_345 = tpu.vector_load %arg8[%get3A_344] {strides = array<i32>} : memref<16384xf32, #tpu.memory_space<vmem>>, vector<16xf32>,
      %get3A_346 = vector.shape_cast %get3A_345 : vector<16xf32> to vector<16xf32>
      %add3A_347 = arith.addf %get3A_343, %get3A_346 : vector<16xf32>
      %swap3A_348 = arith.index_cast %add3A_340 : i32 to index
      %swap3A_349 = tpu.vector_load %arg5[%swap3A_348] {strides = array<i32>} : memref<16384xf32, #tpu.memory_space<vmem>>, vector<16xf32>,
      %swap3A_350 = vector.shape_cast %swap3A_349 : vector<16xf32> to vector<16xf32>
      %swap3A_351 = vector.shape_cast %add3A_347 : vector<16xf32> to vector<16xf32>
      tpu.vector_store %arg5[%swap3A_348], %swap3A_351 {strides = array<i32>} : memref<16384xf32, #tpu.memory_space<vmem>>, vector<16xf32>,
      %add3A_352 = arith.constant 176 : i32
      %add3A_353 = arith.addi %mul3A_210, %add3A_352 : i32
      %get3A_354 = arith.index_cast %add3A_353 : i32 to index
      %get3A_355 = tpu.vector_load %arg5[%get3A_354] {strides = array<i32>} : memref<16384xf32, #tpu.memory_space<vmem>>, vector<16xf32>,
      %get3A_356 = vector.shape_cast %get3A_355 : vector<16xf32> to vector<16xf32>
      %get3A_357 = arith.index_cast %add3A_353 : i32 to index
      %get3A_358 = tpu.vector_load %arg8[%get3A_357] {strides = array<i32>} : memref<16384xf32, #tpu.memory_space<vmem>>, vector<16xf32>,
      %get3A_359 = vector.shape_cast %get3A_358 : vector<16xf32> to vector<16xf32>
      %add3A_360 = arith.addf %get3A_356, %get3A_359 : vector<16xf32>
      %swap3A_361 = arith.index_cast %add3A_353 : i32 to index
      %swap3A_362 = tpu.vector_load %arg5[%swap3A_361] {strides = array<i32>} : memref<16384xf32, #tpu.memory_space<vmem>>, vector<16xf32>,
      %swap3A_363 = vector.shape_cast %swap3A_362 : vector<16xf32> to vector<16xf32>
      %swap3A_364 = vector.shape_cast %add3A_360 : vector<16xf32> to vector<16xf32>
      tpu.vector_store %arg5[%swap3A_361], %swap3A_364 {strides = array<i32>} : memref<16384xf32, #tpu.memory_space<vmem>>, vector<16xf32>,
      %add3A_365 = arith.constant 192 : i32
      %add3A_366 = arith.addi %mul3A_210, %add3A_365 : i32
      %get3A_367 = arith.index_cast %add3A_366 : i32 to index
      %get3A_368 = tpu.vector_load %arg5[%get3A_367] {strides = array<i32>} : memref<16384xf32, #tpu.memory_space<vmem>>, vector<16xf32>,
      %get3A_369 = vector.shape_cast %get3A_368 : vector<16xf32> to vector<16xf32>
      %get3A_370 = arith.index_cast %add3A_366 : i32 to index
      %get3A_371 = tpu.vector_load %arg8[%get3A_370] {strides = array<i32>} : memref<16384xf32, #tpu.memory_space<vmem>>, vector<16xf32>,
      %get3A_372 = vector.shape_cast %get3A_371 : vector<16xf32> to vector<16xf32>
      %add3A_373 = arith.addf %get3A_369, %get3A_372 : vector<16xf32>
      %swap3A_374 = arith.index_cast %add3A_366 : i32 to index
      %swap3A_375 = tpu.vector_load %arg5[%swap3A_374] {strides = array<i32>} : memref<16384xf32, #tpu.memory_space<vmem>>, vector<16xf32>,
      %swap3A_376 = vector.shape_cast %swap3A_375 : vector<16xf32> to vector<16xf32>
      %swap3A_377 = vector.shape_cast %add3A_373 : vector<16xf32> to vector<16xf32>
      tpu.vector_store %arg5[%swap3A_374], %swap3A_377 {strides = array<i32>} : memref<16384xf32, #tpu.memory_space<vmem>>, vector<16xf32>,
      %add3A_378 = arith.constant 208 : i32
      %add3A_379 = arith.addi %mul3A_210, %add3A_378 : i32
      %get3A_380 = arith.index_cast %add3A_379 : i32 to index
      %get3A_381 = tpu.vector_load %arg5[%get3A_380] {strides = array<i32>} : memref<16384xf32, #tpu.memory_space<vmem>>, vector<16xf32>,
      %get3A_382 = vector.shape_cast %get3A_381 : vector<16xf32> to vector<16xf32>
      %get3A_383 = arith.index_cast %add3A_379 : i32 to index
      %get3A_384 = tpu.vector_load %arg8[%get3A_383] {strides = array<i32>} : memref<16384xf32, #tpu.memory_space<vmem>>, vector<16xf32>,
      %get3A_385 = vector.shape_cast %get3A_384 : vector<16xf32> to vector<16xf32>
      %add3A_386 = arith.addf %get3A_382, %get3A_385 : vector<16xf32>
      %swap3A_387 = arith.index_cast %add3A_379 : i32 to index
      %swap3A_388 = tpu.vector_load %arg5[%swap3A_387] {strides = array<i32>} : memref<16384xf32, #tpu.memory_space<vmem>>, vector<16xf32>,
      %swap3A_389 = vector.shape_cast %swap3A_388 : vector<16xf32> to vector<16xf32>
      %swap3A_390 = vector.shape_cast %add3A_386 : vector<16xf32> to vector<16xf32>
      tpu.vector_store %arg5[%swap3A_387], %swap3A_390 {strides = array<i32>} : memref<16384xf32, #tpu.memory_space<vmem>>, vector<16xf32>,
      %add3A_391 = arith.constant 224 : i32
      %add3A_392 = arith.addi %mul3A_210, %add3A_391 : i32
      %get3A_393 = arith.index_cast %add3A_392 : i32 to index
      %get3A_394 = tpu.vector_load %arg5[%get3A_393] {strides = array<i32>} : memref<16384xf32, #tpu.memory_space<vmem>>, vector<16xf32>,
      %get3A_395 = vector.shape_cast %get3A_394 : vector<16xf32> to vector<16xf32>
      %get3A_396 = arith.index_cast %add3A_392 : i32 to index
      %get3A_397 = tpu.vector_load %arg8[%get3A_396] {strides = array<i32>} : memref<16384xf32, #tpu.memory_space<vmem>>, vector<16xf32>,
      %get3A_398 = vector.shape_cast %get3A_397 : vector<16xf32> to vector<16xf32>
      %add3A_399 = arith.addf %get3A_395, %get3A_398 : vector<16xf32>
      %swap3A_400 = arith.index_cast %add3A_392 : i32 to index
      %swap3A_401 = tpu.vector_load %arg5[%swap3A_400] {strides = array<i32>} : memref<16384xf32, #tpu.memory_space<vmem>>, vector<16xf32>,
      %swap3A_402 = vector.shape_cast %swap3A_401 : vector<16xf32> to vector<16xf32>
      %swap3A_403 = vector.shape_cast %add3A_399 : vector<16xf32> to vector<16xf32>
      tpu.vector_store %arg5[%swap3A_400], %swap3A_403 {strides = array<i32>} : memref<16384xf32, #tpu.memory_space<vmem>>, vector<16xf32>,
      %add3A_404 = arith.constant 240 : i32
      %add3A_405 = arith.addi %mul3A_210, %add3A_404 : i32
      %get3A_406 = arith.index_cast %add3A_405 : i32 to index
      %get3A_407 = tpu.vector_load %arg5[%get3A_406] {strides = array<i32>} : memref<16384xf32, #tpu.memory_space<vmem>>, vector<16xf32>,
      %get3A_408 = vector.shape_cast %get3A_407 : vector<16xf32> to vector<16xf32>
      %get3A_409 = arith.index_cast %add3A_405 : i32 to index
      %get3A_410 = tpu.vector_load %arg8[%get3A_409] {strides = array<i32>} : memref<16384xf32, #tpu.memory_space<vmem>>, vector<16xf32>,
      %get3A_411 = vector.shape_cast %get3A_410 : vector<16xf32> to vector<16xf32>
      %add3A_412 = arith.addf %get3A_408, %get3A_411 : vector<16xf32>
      %swap3A_413 = arith.index_cast %add3A_405 : i32 to index
      %swap3A_414 = tpu.vector_load %arg5[%swap3A_413] {strides = array<i32>} : memref<16384xf32, #tpu.memory_space<vmem>>, vector<16xf32>,
      %swap3A_415 = vector.shape_cast %swap3A_414 : vector<16xf32> to vector<16xf32>
      %swap3A_416 = vector.shape_cast %add3A_412 : vector<16xf32> to vector<16xf32>
      tpu.vector_store %arg5[%swap3A_413], %swap3A_416 {strides = array<i32>} : memref<16384xf32, #tpu.memory_space<vmem>>, vector<16xf32>,
    }
    %scan3A_183 = arith.constant 64 : i32
    %add3A_184 = arith.constant 48 : i32
    %add3A_185 = arith.addi %add3A_42, %add3A_184 : i32
    %mul3A_186 = arith.constant 1024 : i32
    %mul3A_187 = arith.muli %add3A_185, %mul3A_186 : i32
    %dma_start3A_188 = tpu.memref_slice %arg4[%mul3A_187] : memref<2097152xf32, #tpu.memory_space<hbm>> -> memref<16384xf32, #tpu.memory_space<hbm>>
    %dma_start3A_189 = tpu.memref_slice %arg4[%mul3A_187] : memref<2097152xf32, #tpu.memory_space<hbm>> -> memref<16384xf32, #tpu.memory_space<hbm>>
    tpu.enqueue_dma source(%arg5 : memref<16384xf32, #tpu.memory_space<vmem>>) target(%dma_start3A_189 : memref<16384xf32, #tpu.memory_space<hbm>>) target_semaphore(%arg17 : memref<!tpu.dma_semaphore, #tpu.memory_space<semaphore_mem>>)
    %add3A_190 = arith.constant 16 : i32
    %add3A_191 = arith.addi %add3A_42, %add3A_190 : i32
    %mul3A_192 = arith.constant 1024 : i32
    %mul3A_193 = arith.muli %add3A_191, %mul3A_192 : i32
    %dma_wait3A_194 = tpu.memref_slice %arg4[%mul3A_193] : memref<2097152xf32, #tpu.memory_space<hbm>> -> memref<16384xf32, #tpu.memory_space<hbm>>
    %dma_wait3A_195 = tpu.memref_slice %arg4[%mul3A_193] : memref<2097152xf32, #tpu.memory_space<hbm>> -> memref<16384xf32, #tpu.memory_space<hbm>>
    tpu.wait_dma2 semaphore(%arg18 : memref<!tpu.dma_semaphore, #tpu.memory_space<semaphore_mem>>) src(%arg6 : memref<16384xf32, #tpu.memory_space<vmem>>) dst(%dma_wait3A_195 : memref<16384xf32, #tpu.memory_space<hbm>>)
    %add3A_196 = arith.constant 32 : i32
    %add3A_197 = arith.addi %add3A_42, %add3A_196 : i32
    %mul3A_198 = arith.constant 1024 : i32
    %mul3A_199 = arith.muli %add3A_197, %mul3A_198 : i32
    %dma_wait3A_200 = tpu.memref_slice %arg4[%mul3A_199] : memref<2097152xf32, #tpu.memory_space<hbm>> -> memref<16384xf32, #tpu.memory_space<hbm>>
    %dma_wait3A_201 = tpu.memref_slice %arg4[%mul3A_199] : memref<2097152xf32, #tpu.memory_space<hbm>> -> memref<16384xf32, #tpu.memory_space<hbm>>
    tpu.wait_dma2 semaphore(%arg19 : memref<!tpu.dma_semaphore, #tpu.memory_space<semaphore_mem>>) src(%arg7 : memref<16384xf32, #tpu.memory_space<vmem>>) dst(%dma_wait3A_201 : memref<16384xf32, #tpu.memory_space<hbm>>)
    %add3A_202 = arith.constant 48 : i32
    %add3A_203 = arith.addi %add3A_42, %add3A_202 : i32
    %mul3A_204 = arith.constant 1024 : i32
    %mul3A_205 = arith.muli %add3A_203, %mul3A_204 : i32
    %dma_wait3A_206 = tpu.memref_slice %arg4[%mul3A_205] : memref<2097152xf32, #tpu.memory_space<hbm>> -> memref<16384xf32, #tpu.memory_space<hbm>>
    %dma_wait3A_207 = tpu.memref_slice %arg4[%mul3A_205] : memref<2097152xf32, #tpu.memory_space<hbm>> -> memref<16384xf32, #tpu.memory_space<hbm>>
    tpu.wait_dma2 semaphore(%arg17 : memref<!tpu.dma_semaphore, #tpu.memory_space<semaphore_mem>>) src(%arg5 : memref<16384xf32, #tpu.memory_space<vmem>>) dst(%dma_wait3A_207 : memref<16384xf32, #tpu.memory_space<hbm>>)
    return
  }
}

module attributes {stable_mosaic.version = 14 : i64} {
  func.func @_add_body(%arg0: i32, %arg1: i32, %arg2: memref<1x1792x1024xf32, #tpu.memory_space<vmem>>, %arg3: memref<1792x1024xf32, #tpu.memory_space<vmem>>, %arg4: memref<1x1792x1024xf32, #tpu.memory_space<vmem>>) attributes {dimension_semantics = [#tpu.dimension_semantics<arbitrary>, #tpu.dimension_semantics<arbitrary>], iteration_bounds = array<i64: 2, 4>, scalar_prefetch = 0 : i64, scratch_operands = 0 : i64, tpu.core_type = #tpu.core_type<tc>, window_params = [{transform_indices = @transform_0, window_bounds = array<i64: 1, 1792, 1024>}, {transform_indices = @transform_1, window_bounds = array<i64: 1792, 1024>}, {transform_indices = @transform_2, window_bounds = array<i64: 1, 1792, 1024>}]} {
    %get3A = arith.constant 0 : index
    %get3A_0 = arith.constant 0 : index
    %get3A_1 = arith.constant 0 : index
    %get3A_2 = vector.load %arg2[%get3A, %get3A_0, %get3A_1] : memref<1x1792x1024xf32, #tpu.memory_space<vmem>>, vector<1x1792x1024xf32>
    %get3A_3 = arith.constant 0 : index
    %get3A_4 = arith.constant 0 : index
    %get3A_5 = vector.load %arg3[%get3A_3, %get3A_4] : memref<1792x1024xf32, #tpu.memory_space<vmem>>, vector<1792x1024xf32>
    %broadcast_in_dim3A = vector.shape_cast %get3A_5 : vector<1792x1024xf32> to vector<1x1792x1024xf32>
    %add3A = arith.addf %get3A_2, %broadcast_in_dim3A : vector<1x1792x1024xf32>
    %swap3A = arith.constant 0 : index
    %swap3A_6 = arith.constant 0 : index
    %swap3A_7 = arith.constant 0 : index
    %swap3A_8 = vector.load %arg4[%swap3A, %swap3A_6, %swap3A_7] : memref<1x1792x1024xf32, #tpu.memory_space<vmem>>, vector<1x1792x1024xf32>
    tpu.vector_store %arg4[%swap3A, %swap3A_6, %swap3A_7], %add3A {strides = array<i32>} : memref<1x1792x1024xf32, #tpu.memory_space<vmem>>, vector<1x1792x1024xf32>,
    return
  }
  func.func @transform_0(%arg0: i32, %arg1: i32) -> (i32, i32, i32) {
    %c0_i32 = arith.constant 0 : i32
    %c0_i32_0 = arith.constant 0 : i32
    return %arg1, %arg0, %c0_i32 : i32, i32, i32
  }
  func.func @transform_1(%arg0: i32, %arg1: i32) -> (i32, i32) {
    %c0_i32 = arith.constant 0 : i32
    %c0_i32_0 = arith.constant 0 : i32
    return %arg0, %c0_i32 : i32, i32
  }
  func.func @transform_2(%arg0: i32, %arg1: i32) -> (i32, i32, i32) {
    %c0_i32 = arith.constant 0 : i32
    %c0_i32_0 = arith.constant 0 : i32
    return %arg1, %arg0, %c0_i32 : i32, i32, i32
  }
}

</mosaic_0001>

<sc_bundles>
// kernel: kernel.4.cloned.1.call-start
scs
__scs_entry_jumppad:
0x0: {  	(pc) =	sbr.rel $0x88, $3  }
0x1: {  	(tag) =	ssettag $0x0;
	lr =	simm.s32 $0x1  }
0x2: {  	[smem:$0x3F9F] =	sst lr;
	_ =	strace $0xD0000000  }
0x3: {  	_ = 	snop  }
0x4: {  	_ = 	snop  }
0x5: {  	_ = 	snop  }
0x6: {  	_ = 	snop  }
0x7: {  	_ = 	snop  }
__scs_overlays_trampoline_lowered:
0x8: {  	[smem:$0x3FAE] =	sst s0  }
0x9: {  	[smem:$0x3FAF] =	sst s1  }
0xa: {  	[smem:$0x3FB0] =	sst s2  }
0xb: {  	[smem:$0x3FB1] =	sst s3  }
0xc: {  	[smem:$0x3FB2] =	sst s4  }
0xd: {  	[smem:$0x3FB3] =	sst s5  }
0xe: {  	[smem:$0x3FB4] =	sst s6  }
0xf: {  	[smem:$0x3FB5] =	sst s7  }
0x10: {  	[smem:$0x3FB6] =	sst s8  }
0x11: {  	[smem:$0x3FB7] =	sst s9;
	s0 =	simm.s32 @!p0 $0x0  }
0x12: {  	s1 =	sld [smem:$0x3F9D];
	s0 =	simm.s32 @p0 $0x1  }
0x13: {  	[smem:$0x3FB8] =	sst s0;
	s0 =	simm.s32 @!p1 $0x0  }
0x14: {  	s2 =	sld [smem:$0x3F9C];
	s0 =	simm.s32 @p1 $0x1  }
0x15: {  	[smem:$0x3FB9] =	sst s0;
	s0 =	simm.s32 @!p2 $0x0  }
0x16: {  	s3 =	sld [smem:$0x3FDB];
	s0 =	simm.s32 @p2 $0x1  }
0x17: {  	s4 =	simm.s32 $0x1BF5;
	[smem:$0x3FBB] =	sst s0  }
0x18: {  	s0 =	sld [smem:$0x3F9E];
	_ =	swait.ge [sflag:s4], $0x0  }
0x19: {  	s7 =	sld [smem:$0x3F9F]  }
0x1a: {  	s8 =	sadd.s32 $0xFFFFE003, lr  }
0x1b: {  	s9 =	sadd.s32 $0xFFFFFEF7, lr;
	s5 =	simm.s32 $0xFFFFFFFF;
	p2 =	slt.u32 s8, $0xFFFFF086  }
0x1c: {  	p1 =	slt.u32 s9, $0xF7A;
	s5 =	simm.s32 @!p2 $0x0  }
0x1d: {  	s5 =	simm.s32 @p1 $0x1;
	p0 =	seq.s32 s7, s2  }
0x1e: {  	s7 =	smul.u32 @!p0 $0xF7A, s2;
	p2 =	seq.s32 @!p0 s5, $0x0  }
0x1f: {  	s9 =	smul.u32 $0xF7A, s1;
	s8 =	simm.s32 @!p0 $0x1BF5;
	p2 =	por !p2, p0  }
0x20: {  	[sflag:s8] =	ssyncset.s32 @!p0 $0xFFFFF086;
	s6 =	sadd.s32 @!p0 s3, s7;
	s7 =	simm.s32 @!p0 $0x108  }
0x21: {  	s3 =	sadd.s32 s3, s9;
	s6 =	sadd.s32 @!p0 $0x88, s6;
	s7 =	simm.s32 @p2 $0x1082  }
0x22: {  	[simem:s7], [sflag:s8] =	dma.local @!p0 [hbm:s6], $0xF7A  }
0x23: {  	s9 =	sor.u32 $0xD0000000, s2;
	s6 =	simm.s32 $0x108;
	_ =	swait.ge @!p0 [sflag:s8], $0x0  }
0x24: {  	s3 =	sadd.s32 $0x88, s3;
	s6 =	simm.s32 @!p1 $0x1082;
	[sflag:s4] =	ssyncset.s32 $0xFFFFF086  }
0x25: {  	[simem:s6], [sflag:s4] =	dma.local [hbm:s3], $0xF7A  }
0x26: {  	[smem:$0x3F9F] =	sst s1;
	(tag) =	ssettag s2;
	_ =	strace s9  }
0x27: {  	s1 =	sld [smem:$0x3FAF]  }
0x28: {  	s2 =	sld [smem:$0x3FB0]  }
0x29: {  	s4 =	sld [smem:$0x3FB2]  }
0x2a: {  	p0 =	seq.s32 s5, $0x0;
	s5 =	sld [smem:$0x3FB3]  }
0x2b: {  	s6 =	sld [smem:$0x3FB4]  }
0x2c: {  	s7 =	sld [smem:$0x3FB5]  }
0x2d: {  	s3 =	simm.s32 $0x108;
	s8 =	sld [smem:$0x3FB6]  }
0x2e: {  	s3 =	simm.s32 @!p0 $0x1082;
	s9 =	sld [smem:$0x3FB7]  }
0x2f: {  	lr =	sadd.s32 s0, s3;
	s0 =	sld [smem:$0x3FAE]  }
0x30: {  	s3 =	sld [smem:$0x3FB1]  }
0x31: {  	[smem:$0x3FBA] =	sst s10  }
0x32: {  	s10 =	sld [smem:$0x3FB8];
	_ =	sdelay $0x3  }
0x33: {  	p0 =	seq.s32 s10, $0x1;
	s10 =	sld [smem:$0x3FBA];
	_ =	sdelay $0x3  }
0x34: {  	[smem:$0x3FBA] =	sst s10  }
0x35: {  	s10 =	sld [smem:$0x3FB9];
	_ =	sdelay $0x3  }
0x36: {  	p1 =	seq.s32 s10, $0x1;
	s10 =	sld [smem:$0x3FBA];
	_ =	sdelay $0x3  }
0x37: {  	[smem:$0x3FBA] =	sst s10  }
0x38: {  	s10 =	sld [smem:$0x3FBB]  }
0x39: {  	_ = 	snop;
	(pc) =	sbr.ind lr, $3  }
0x3a: {  	_ = 	snop  }
0x3b: {  	_ = 	snop  }
0x3c: {  	p2 =	seq.s32 s10, $0x1;
	s10 =	sld [smem:$0x3FBA]  }
0x3d: {  	_ =	shalt  }
0x3e: {  	_ =	shalt  }
0x3f: {  	_ =	shalt  }
0x40: {  	_ =	shalt  }
0x41: {  	_ =	shalt  }
0x42: {  	_ =	shalt  }
0x43: {  	_ =	shalt  }
0x44: {  	_ =	shalt  }
0x45: {  	_ =	shalt  }
0x46: {  	_ =	shalt  }
0x47: {  	_ =	shalt  }
0x48: {  	_ =	shalt  }
0x49: {  	_ =	shalt  }
0x4a: {  	_ =	shalt  }
0x4b: {  	_ =	shalt  }
0x4c: {  	_ =	shalt  }
0x4d: {  	_ =	shalt  }
0x4e: {  	_ =	shalt  }
0x4f: {  	_ =	shalt  }
0x50: {  	_ =	shalt  }
0x51: {  	_ =	shalt  }
0x52: {  	_ =	shalt  }
0x53: {  	_ =	shalt  }
0x54: {  	_ =	shalt  }
0x55: {  	_ =	shalt  }
0x56: {  	_ =	shalt  }
0x57: {  	_ =	shalt  }
0x58: {  	_ =	shalt  }
0x59: {  	_ =	shalt  }
0x5a: {  	_ =	shalt  }
0x5b: {  	_ =	shalt  }
0x5c: {  	_ =	shalt  }
0x5d: {  	_ =	shalt  }
0x5e: {  	_ =	shalt  }
0x5f: {  	_ =	shalt  }
0x60: {  	_ =	shalt  }
0x61: {  	_ =	shalt  }
0x62: {  	_ =	shalt  }
0x63: {  	_ =	shalt  }
0x64: {  	_ =	shalt  }
0x65: {  	_ =	shalt  }
0x66: {  	_ =	shalt  }
0x67: {  	_ =	shalt  }
0x68: {  	_ =	shalt  }
0x69: {  	_ =	shalt  }
0x6a: {  	_ =	shalt  }
0x6b: {  	_ =	shalt  }
0x6c: {  	_ =	shalt  }
0x6d: {  	_ =	shalt  }
0x6e: {  	_ =	shalt  }
0x6f: {  	_ =	shalt  }
0x70: {  	_ =	shalt  }
0x71: {  	_ =	shalt  }
0x72: {  	_ =	shalt  }
0x73: {  	_ =	shalt  }
0x74: {  	_ =	shalt  }
0x75: {  	_ =	shalt  }
0x76: {  	_ =	shalt  }
0x77: {  	_ =	shalt  }
0x78: {  	_ =	shalt  }
0x79: {  	_ =	shalt  }
0x7a: {  	_ =	shalt  }
0x7b: {  	_ =	shalt  }
0x7c: {  	_ =	shalt  }
0x7d: {  	_ =	shalt  }
0x7e: {  	_ =	shalt  }
0x7f: {  	_ =	shalt  }
0x80: {  	_ =	shalt  }
0x81: {  	_ =	shalt  }
0x82: {  	_ =	shalt  }
0x83: {  	_ =	shalt  }
0x84: {  	_ =	shalt  }
0x85: {  	_ =	shalt  }
0x86: {  	_ =	shalt  }
0x87: {  	_ =	shalt  }
.Lfunc_end0:
.L_simem_size_0:
called_computation.1_lowered:
.L_overlay_start_0:
0x88: {  	s2 =	sld [smem:$0x3FD9]  }
0x89: {  	s3 =	sld [smem:$0x3FFE];
	_ =	sdelay $0x1  }
0x8a: {  	s1 =	srdreg.scid  }
0x8b: {  	s0 =	sand.u32 $0x1, s1  }
0x8c: {  	s16 =	sshll.u32 s0, $0xA;
	s2 =	sadd.s32 s3, s2  }
0x8d: {  	s2 =	sadd.s32 s2, s16  }
0x8e: {  	[smem:$0x3FC6] =	sst s2  }
0x8f: {  	_ = 	snop  }
0x90: {  	(tm) =	ssettm $0x1  }
0x91: {  	s17 =	sld [smem:$0x3FFB];
	_ =	sdelay $0x3  }
0x92: {  	_ =	strace s17  }
0x93: {  	s2 =	sld [smem:$0x3FFC];
	_ =	sdelay $0x3  }
0x94: {  	_ =	strace s2  }
0x95: {  	s2 =	sld [smem:$0x3FFD];
	_ =	sdelay $0x3  }
0x96: {  	_ =	strace s2  }
0x97: {  	_ =	strace $0x8FFFFFFF  }
0x98: {  	s18 =	sld [smem:$0x3FDB];
	_ =	sdelay $0x1  }
0x99: {  	s19 =	simm.s32 $_scs_section_size  }
0x9a: {  	s4 =	simm.s32 $_size__tile_overlayer_lowered;
	s5 =	simm.s32 $_tile_overlayer_lowered  }
0x9b: {  	s22 =	simm.s32 $0x1BFF;
	s21 =	sshll.u32 s5, $0x1;
	s2 =	sadd.s32 s19, s18  }
0x9c: {  	s6 =	simm.s32 $0x0;
	s20 =	sshll.u32 s4, $0x1;
	s4 =	sadd.s32 s21, s2  }
0x9d: {  	[timem:s6], [sflag:s22] =	dma.local [hbm:s4], s20  }
0x9e: {  	_ =	swait.ge [sflag:s22], s20  }
0x9f: {  	s3 =	ssub.s32 $0x0, s20;
	[sflag:s22] =	ssyncset.done $0x0  }
0xa0: {  	[sflag:s22] =	ssyncadd.s32 s3;
	_ =	sdelay $0x1  }
0xa1: {  	s23 =	simm.s32 $0x1B8B  }
0xa2: {  	_ =	swait.ge [sflag:s23], $0x1  }
0xa3: {  	[sflag:s23] =	ssyncset.done $0x0  }
0xa4: {  	s25 =	simm.s32 $0x1B8E;
	s24 =	sld [smem:$0x3FFE];
	[sflag:s23] =	ssyncadd.s32 $0xFFFFFFFF  }
0xa5: {  	s26 =	simm.s32 $execute0_lowered;
	[smem:$0x3FD2] =	sst s25  }
0xa6: {  	s4 =	sshll.u32 s26, $0x1;
	_ =	strace $0x80000049;
	[dreg:$0x1] =	wrdreg $0xFFFFFFFF  }
0xa7: {  	s28 =	simm.s32 $_size_execute0_lowered;
	s2 =	sadd.s32 s2, s4;
	[dreg:$0x0] =	wrdreg $0x0  }
0xa8: {  	s4 =	sshll.u32 s28, $0x1;
	[dreg:$0x2] =	wrdreg s2  }
0xa9: {  	[dreg:$0x3] =	wrdreg s4  }
0xaa: {  	[dreg:$0x4] =	wrdreg $0xC0  }
0xab: {  	_ =	task [dreg:s6], $0x5FFFF  }
0xac: {  	[dreg:$0x1] =	wrdreg $0xFFFFFFFF  }
0xad: {  	[dreg:$0x0] =	wrdreg $0x60  }
0xae: {  	[dreg:$0x2] =	wrdreg s24  }
0xaf: {  	[dreg:$0x3] =	wrdreg $0x9  }
0xb0: {  	_ =	task.clear_ibuf [dreg:s6], $0x4FFFF;
	_ =	strace $0x90000049  }
0xb1: {  	s29 =	simm.s32 $0x9;
	_ =	strace $0x8000004B  }
0xb2: {  	_ =	swait.ge [sflag:s29], $0x1  }
0xb3: {  	[sflag:s29] =	ssyncadd.s32 $0xFFFFFFFF  }
0xb4: {  	_ =	strace $0x9000004B  }
0xb5: {  	_ =	sfence  }
0xb6: {  	s30 =	sld [smem:$0x0];
	_ =	sdelay $0x2  }
0xb7: {  	s31 =	sshll.u32 s1, $0xD;
	s1 =	sshrl.u32 s1, $0x2  }
0xb8: {  	s3 =	sand.u32 $0x4000, s31;
	s1 =	sadd.s32 s1, s30  }
0xb9: {  	s0 =	sor.u32 s3, s0;
	s1 =	sshll.u32 s1, $0x11  }
0xba: {  	s0 =	sor.u32 s1, s0  }
0xbb: {  	s0 =	sadd.s32 $0x8F2B, s0  }
0xbc: {  	[sflag:s0] =	ssyncadd.remote.s32 $0x1  }
0xbd: {  	_ =	sfence.sel $0xFFFF  }
0xbe: {  	[dreg:$0x0] =	wrdreg $0xFFFFFFFF;
	(pc) =	sbr.abs _section_cstart, $3  }
0xbf: {  	[dreg:$0x1] =	wrdreg $0xFFFFFFFF  }
0xc0: {  	_ =	task.clear_ibuf [dreg:s6], $0x2FFFF;
	_ =	strace $0x9FFFFFFF  }
0xc1: {  	(tm) =	ssettm $0x7FFFFFFF  }
tec
execute0_lowered:
.L_overlay_start_1:
0x0: {  	(tag) =	ssettag $0x1  }
0x1: {  	s2 =	stileid.u32  }
0x2: {  	s0 =	srdreg.scid;
	s3 =	rddreg [dreg:$0x0];
	s16 =	simm.s32 $0xC000  }
0x3: {  	s17 =	simm.s32 $0x4000;
	s19 =	simm.s32 $0x1;
	s20 =	simm.s32 $0x4  }
0x4: {  	s21 =	simm.s32 $0x8000;
	s22 =	simm.s32 $0x14000;
	s23 =	simm.s32 $0x2  }
0x5: {  	s24 =	simm.s32 $0x5;
	s25 =	simm.s32 $0x7;
	s26 =	simm.s32 $0x3  }
0x6: {  	s28 =	simm.s32 $0x6;
	s29 =	simm.s32 $0x8;
	s30 =	simm.s32 $0x9  }
0x7: {  	s31 =	simm.s32 $0x0;
	s1 =	sshll.u32 s2, $0x1;
	s0 =	sand.u32 $0x1, s0  }
0x8: {  	s4 =	sshrl.u32 s2, $0x2;
	s2 =	simm.s32 $0x0;
	s1 =	sand.u32 $0x6, s1  }
0x9: {  	s5 =	sshll.u32 s4, $0x13;
	[smem:$0x7FF] =	sst s2;
	s1 =	sor.u32 s0, s1  }
0xa: {  	s4 =	sshll.u32 s4, $0x10;
	s0 =	ssub.s32 $0x2, s0;
	s1 =	sshll.u32 s1, $0xD  }
0xb: {  	_ =	strace $0x8000004A;
	s11 =	sshrl.u32 s0, $0x1;
	s5 =	sor.u32 s5, s1  }
0xc: {  	s4 =	sor.u32 s4, s1;
	s1 =	sadd.s32 s1, s3;
	s0 =	ssub.s32 s0, s11  }
0xd: {  	s14 =	sadd.s32 s4, s3;
	s4 =	sadd.s32 $0x270A00, s1;
	s6 =	sadd.s32 $0x271200, s1  }
0xe: {  	s10 =	sadd.s32 s5, s3;
	s7 =	sadd.s32 $0x271A00, s1;
	s11 =	sadd.s32 $0x272200, s1  }
0xf: {  	s3 =	sadd.s32 $0x70A00, s10;
	s5 =	sadd.s32 $0x71200, s10;
	s9 =	sadd.s32 $0x280A00, s14  }
0x10: {  	s8 =	sadd.s32 $0x71A00, s10;
	s10 =	sadd.s32 $0x72200, s10;
	s12 =	sadd.s32 $0x281200, s14  }
0x11: {  	s15 =	smax.u32 s0, $0x1;
	s13 =	sadd.s32 $0x281A00, s14;
	s14 =	sadd.s32 $0x282200, s14  }
.LBB2_1:
0x12: {  	[tilespmem:s2], [sflag:$0x1] =	stream.linear.gather [hbm4b:s3+s2], $0x4000, $0x38;
	[tilespmem:$0x18000] =	vst v63  }
0x13: {  	_ = 	snop  }
0x14: {  	[tilespmem:s16], [sflag:$0x4] =	stream.linear.gather [hbm4b:s4+s2], $0x4000, $0x38;
	[tilespmem:$0x18000] =	vst v63  }
0x15: {  	_ = 	snop  }
0x16: {  	[tilespmem:s17], [sflag:$0x2] =	stream.linear.gather [hbm4b:s5+s2], $0x4000, $0x38;
	[tilespmem:$0x18000] =	vst v63  }
0x17: {  	s0 =	simm.s32 $0x10000  }
0x18: {  	[tilespmem:s0], [sflag:$0x5] =	stream.linear.gather [hbm4b:s6+s2], $0x4000, $0x38;
	[tilespmem:$0x18000] =	vst v63  }
0x19: {  	_ =	swait.ge [sflag:s19], $0x4000  }
0x1a: {  	[sflag:s19] =	ssyncset.done $0x0  }
0x1b: {  	[sflag:s19] =	ssyncadd.s32 $0xFFFFC000  }
0x1c: {  	_ =	swait.ge [sflag:s20], $0x4000  }
0x1d: {  	[sflag:s20] =	ssyncset.done $0x0  }
0x1e: {  	[sflag:s20] =	ssyncadd.s32 $0xFFFFC000  }
0x1f: {  	[tilespmem:s21], [sflag:$0x3] =	stream.linear.gather [hbm4b:s8+s2], $0x4000, $0x38;
	[tilespmem:$0x18000] =	vst v63  }
0x20: {  	s1 =	simm.s32 $0x0  }
0x21: {  	[tilespmem:s22], [sflag:$0x6] =	stream.linear.gather [hbm4b:s7+s2], $0x4000, $0x38;
	[tilespmem:$0x18000] =	vst v63  }
0x22: {  	v6 =	vld [tilespmem:s1+$0xC000]  }
0x23: {  	v7 =	vld [tilespmem:s1+$0xC010]  }
0x24: {  	v8 =	vld [tilespmem:s1+$0xC020]  }
0x25: {  	v9 =	vld [tilespmem:s1+$0xC030]  }
0x26: {  	v10 =	vld [tilespmem:s1+$0xC040]  }
0x27: {  	v11 =	vld [tilespmem:s1+$0xC050]  }
0x28: {  	v12 =	vld [tilespmem:s1+$0xC060]  }
0x29: {  	v13 =	vld [tilespmem:s1+$0xC070]  }
0x2a: {  	v14 =	vld [tilespmem:s1+$0xC080]  }
0x2b: {  	v15 =	vld [tilespmem:s1+$0xC090]  }
0x2c: {  	v5 =	vld [tilespmem:s1+$0xC0A0]  }
0x2d: {  	v4 =	vld [tilespmem:s1+$0xC0B0]  }
0x2e: {  	v3 =	vld [tilespmem:s1+$0xC0C0]  }
0x2f: {  	v2 =	vld [tilespmem:s1+$0xC0D0]  }
0x30: {  	v1 =	vld [tilespmem:s1+$0xC0E0]  }
0x31: {  	v0 =	vld [tilespmem:s1+$0xC0F0]  }
0x32: {  	v16 =	vld [tilespmem:s1+$0x0]  }
0x33: {  	v17 =	vld [tilespmem:s1+$0x10]  }
0x34: {  	v18 =	vld [tilespmem:s1+$0x20]  }
0x35: {  	v19 =	vld [tilespmem:s1+$0x30]  }
0x36: {  	v20 =	vld [tilespmem:s1+$0x40]  }
0x37: {  	v60 =	vld [tilespmem:s1+$0x50];
	v6 =	vadd.f32 v6, v16  }
0x38: {  	v21 =	vld [tilespmem:s1+$0x60];
	v7 =	vadd.f32 v7, v17  }
0x39: {  	v61 =	vld [tilespmem:s1+$0x70];
	[tilespmem:s1+$0x0] =	vst v6;
	v6 =	vadd.f32 v8, v18  }
0x3a: {  	v62 =	vld [tilespmem:s1+$0x80];
	[tilespmem:s1+$0x10] =	vst v7;
	v7 =	vadd.f32 v9, v19  }
0x3b: {  	v63 =	vld [tilespmem:s1+$0x90];
	[tilespmem:s1+$0x20] =	vst v6;
	v6 =	vadd.f32 v10, v20  }
0x3c: {  	v8 =	vadd.f32 v11, v60;
	[tilespmem:s1+$0x30] =	vst v7;
	v7 =	vld [tilespmem:s1+$0xA0]  }
0x3d: {  	v9 =	vadd.f32 v12, v21;
	[tilespmem:s1+$0x40] =	vst v6;
	v6 =	vld [tilespmem:s1+$0xB0]  }
0x3e: {  	[tilespmem:s1+$0x50] =	vst v8;
	v8 =	vld [tilespmem:s1+$0xC0];
	v10 =	vadd.f32 v13, v61  }
0x3f: {  	v12 =	vadd.f32 v14, v62;
	[tilespmem:s1+$0x60] =	vst v9;
	v9 =	vld [tilespmem:s1+$0xD0]  }
0x40: {  	s0 =	simm.s32 $0x400;
	v11 =	vadd.f32 v15, v63;
	[tilespmem:s1+$0x70] =	vst v10;
	v10 =	vld [tilespmem:s1+$0xE0]  }
.LBB2_2:
0x41: {  	s18 =	sshra.s32 s0, $0x2;
	p0 =	sne.s32 s0, $0xFC00;
	[tilespmem:s1+$0x80] =	vst v12;
	v5 =	vadd.f32 v5, v7;
	v7 =	vld [tilespmem:s1+$0xF0]  }
0x42: {  	v12 =	vld [tilespmem:s18+$0xC000];
	[tilespmem:s1+$0x90] =	vst v11;
	v4 =	vadd.f32 v4, v6  }
0x43: {  	v6 =	vld [tilespmem:s18+$0xC010];
	[tilespmem:s1+$0xA0] =	vst v5;
	v3 =	vadd.f32 v3, v8  }
0x44: {  	v8 =	vld [tilespmem:s18+$0xC020];
	[tilespmem:s1+$0xB0] =	vst v4;
	v2 =	vadd.f32 v2, v9  }
0x45: {  	v9 =	vld [tilespmem:s18+$0xC030];
	[tilespmem:s1+$0xC0] =	vst v3;
	v1 =	vadd.f32 v1, v10  }
0x46: {  	v10 =	vld [tilespmem:s18+$0xC040];
	[tilespmem:s1+$0xD0] =	vst v2;
	v0 =	vadd.f32 v0, v7  }
0x47: {  	v7 =	vld [tilespmem:s18+$0xC050];
	[tilespmem:s1+$0xE0] =	vst v1  }
0x48: {  	v11 =	vld [tilespmem:s18+$0xC060];
	[tilespmem:s1+$0xF0] =	vst v0;
	s1 =	smov.u32 s18  }
0x49: {  	v13 =	vld [tilespmem:s1+$0xC070]  }
0x4a: {  	v14 =	vld [tilespmem:s1+$0xC080]  }
0x4b: {  	v15 =	vld [tilespmem:s1+$0xC090]  }
0x4c: {  	v5 =	vld [tilespmem:s1+$0xC0A0]  }
0x4d: {  	v4 =	vld [tilespmem:s1+$0xC0B0]  }
0x4e: {  	v3 =	vld [tilespmem:s1+$0xC0C0]  }
0x4f: {  	v2 =	vld [tilespmem:s1+$0xC0D0]  }
0x50: {  	v1 =	vld [tilespmem:s1+$0xC0E0]  }
0x51: {  	v0 =	vld [tilespmem:s1+$0xC0F0]  }
0x52: {  	v16 =	vld [tilespmem:s1+$0x0]  }
0x53: {  	v17 =	vld [tilespmem:s1+$0x10]  }
0x54: {  	v18 =	vld [tilespmem:s1+$0x20]  }
0x55: {  	v19 =	vld [tilespmem:s1+$0x30]  }
0x56: {  	v20 =	vld [tilespmem:s1+$0x40]  }
0x57: {  	v12 =	vadd.f32 v12, v16;
	v16 =	vld [tilespmem:s1+$0x50]  }
0x58: {  	v6 =	vadd.f32 v6, v17;
	v17 =	vld [tilespmem:s1+$0x60]  }
0x59: {  	[tilespmem:s1+$0x0] =	vst v12;
	v8 =	vadd.f32 v8, v18;
	v12 =	vld [tilespmem:s1+$0x70]  }
0x5a: {  	[tilespmem:s1+$0x10] =	vst v6;
	v6 =	vadd.f32 v9, v19;
	v9 =	vld [tilespmem:s1+$0x80]  }
0x5b: {  	[tilespmem:s1+$0x20] =	vst v8;
	v8 =	vadd.f32 v10, v20;
	v10 =	vld [tilespmem:s1+$0x90]  }
.Ltmp0:
0x5c: {  	[tilespmem:s1+$0x30] =	vst v6;
	v16 =	vadd.f32 v7, v16;
	v7 =	vld [tilespmem:s1+$0xA0];
	(pc) =	sbr.rel @p0 .LBB2_2-.Ltmp0, $4  }
0x5d: {  	[tilespmem:s1+$0x40] =	vst v8;
	v11 =	vadd.f32 v11, v17;
	v6 =	vld [tilespmem:s1+$0xB0]  }
0x5e: {  	[tilespmem:s1+$0x50] =	vst v16;
	v13 =	vadd.f32 v13, v12;
	v8 =	vld [tilespmem:s1+$0xC0]  }
0x5f: {  	[tilespmem:s1+$0x60] =	vst v11;
	v12 =	vadd.f32 v14, v9;
	v9 =	vld [tilespmem:s1+$0xD0]  }
0x60: {  	s0 =	sadd.s32 $0x400, s0;
	[tilespmem:s1+$0x70] =	vst v13;
	v11 =	vadd.f32 v15, v10;
	v10 =	vld [tilespmem:s1+$0xE0]  }
0x61: {  	[tilespmem:s1+$0x80] =	vst v12;
	v5 =	vadd.f32 v5, v7;
	v7 =	vld [tilespmem:s1+$0xF0]  }
0x62: {  	[tilespmem:s1+$0x90] =	vst v11;
	v4 =	vadd.f32 v4, v6  }
0x63: {  	[tilespmem:s1+$0xA0] =	vst v5;
	v3 =	vadd.f32 v3, v8  }
0x64: {  	[tilespmem:s1+$0xB0] =	vst v4;
	v2 =	vadd.f32 v2, v9  }
0x65: {  	[tilespmem:s1+$0xC0] =	vst v3;
	v1 =	vadd.f32 v1, v10  }
0x66: {  	[tilespmem:s1+$0xD0] =	vst v2;
	v0 =	vadd.f32 v0, v7  }
0x67: {  	[tilespmem:s1+$0xE0] =	vst v1  }
0x68: {  	s0 =	simm.s32 $0x0;
	[tilespmem:s1+$0xF0] =	vst v0  }
0x69: {  	[hbm4b:s9+s0] =	stream.linear.scatter [tilespmem:s0], [sflag:$0x7], $0x4000, $0x38;
	[tilespmem:$0x18000] =	vst v63  }
0x6a: {  	_ =	swait.ge [sflag:s23], $0x4000  }
0x6b: {  	[sflag:s23] =	ssyncset.done $0x0  }
0x6c: {  	[sflag:s23] =	ssyncadd.s32 $0xFFFFC000  }
0x6d: {  	_ =	swait.ge [sflag:s24], $0x4000  }
0x6e: {  	[sflag:s24] =	ssyncset.done $0x0  }
0x6f: {  	[sflag:s24] =	ssyncadd.s32 $0xFFFFC000  }
0x70: {  	_ =	swait.ge [sflag:s25], $0x4000  }
0x71: {  	[sflag:s25] =	ssyncset.done $0x0  }
0x72: {  	[sflag:s25] =	ssyncadd.s32 $0xFFFFC000  }
0x73: {  	[tilespmem:s0], [sflag:$0x1] =	stream.linear.gather [hbm4b:s10+s0], $0x4000, $0x38;
	[tilespmem:$0x18000] =	vst v63  }
0x74: {  	s1 =	simm.s32 $0x0  }
0x75: {  	[tilespmem:s16], [sflag:$0x4] =	stream.linear.gather [hbm4b:s11+s0], $0x4000, $0x38;
	[tilespmem:$0x18000] =	vst v63  }
0x76: {  	v6 =	vld [tilespmem:s1+$0x10000]  }
0x77: {  	v7 =	vld [tilespmem:s1+$0x10010]  }
0x78: {  	v8 =	vld [tilespmem:s1+$0x10020]  }
0x79: {  	v9 =	vld [tilespmem:s1+$0x10030]  }
0x7a: {  	v10 =	vld [tilespmem:s1+$0x10040]  }
0x7b: {  	v11 =	vld [tilespmem:s1+$0x10050]  }
0x7c: {  	v12 =	vld [tilespmem:s1+$0x10060]  }
0x7d: {  	v13 =	vld [tilespmem:s1+$0x10070]  }
0x7e: {  	v14 =	vld [tilespmem:s1+$0x10080]  }
0x7f: {  	v15 =	vld [tilespmem:s1+$0x10090]  }
0x80: {  	v5 =	vld [tilespmem:s1+$0x100A0]  }
0x81: {  	v4 =	vld [tilespmem:s1+$0x100B0]  }
0x82: {  	v3 =	vld [tilespmem:s1+$0x100C0]  }
0x83: {  	v2 =	vld [tilespmem:s1+$0x100D0]  }
0x84: {  	v1 =	vld [tilespmem:s1+$0x100E0]  }
0x85: {  	v0 =	vld [tilespmem:s1+$0x100F0]  }
0x86: {  	v16 =	vld [tilespmem:s1+$0x4000]  }
0x87: {  	v17 =	vld [tilespmem:s1+$0x4010]  }
0x88: {  	v18 =	vld [tilespmem:s1+$0x4020]  }
0x89: {  	v19 =	vld [tilespmem:s1+$0x4030]  }
0x8a: {  	v20 =	vld [tilespmem:s1+$0x4040]  }
0x8b: {  	v60 =	vld [tilespmem:s1+$0x4050];
	v6 =	vadd.f32 v6, v16  }
0x8c: {  	v21 =	vld [tilespmem:s1+$0x4060];
	v7 =	vadd.f32 v7, v17  }
0x8d: {  	v61 =	vld [tilespmem:s1+$0x4070];
	[tilespmem:s1+$0x4000] =	vst v6;
	v6 =	vadd.f32 v8, v18  }
0x8e: {  	v62 =	vld [tilespmem:s1+$0x4080];
	[tilespmem:s1+$0x4010] =	vst v7;
	v7 =	vadd.f32 v9, v19  }
0x8f: {  	v63 =	vld [tilespmem:s1+$0x4090];
	[tilespmem:s1+$0x4020] =	vst v6;
	v6 =	vadd.f32 v10, v20  }
0x90: {  	v8 =	vadd.f32 v11, v60;
	[tilespmem:s1+$0x4030] =	vst v7;
	v7 =	vld [tilespmem:s1+$0x40A0]  }
0x91: {  	v9 =	vadd.f32 v12, v21;
	[tilespmem:s1+$0x4040] =	vst v6;
	v6 =	vld [tilespmem:s1+$0x40B0]  }
0x92: {  	[tilespmem:s1+$0x4050] =	vst v8;
	v8 =	vld [tilespmem:s1+$0x40C0];
	v10 =	vadd.f32 v13, v61  }
0x93: {  	v12 =	vadd.f32 v14, v62;
	[tilespmem:s1+$0x4060] =	vst v9;
	v9 =	vld [tilespmem:s1+$0x40D0]  }
0x94: {  	s0 =	simm.s32 $0x400;
	v11 =	vadd.f32 v15, v63;
	[tilespmem:s1+$0x4070] =	vst v10;
	v10 =	vld [tilespmem:s1+$0x40E0]  }
.LBB2_4:
0x95: {  	s18 =	sshra.s32 s0, $0x2;
	p0 =	sne.s32 s0, $0xFC00;
	[tilespmem:s1+$0x4080] =	vst v12;
	v5 =	vadd.f32 v5, v7;
	v7 =	vld [tilespmem:s1+$0x40F0]  }
0x96: {  	v12 =	vld [tilespmem:s18+$0x10000];
	[tilespmem:s1+$0x4090] =	vst v11;
	v4 =	vadd.f32 v4, v6  }
0x97: {  	v6 =	vld [tilespmem:s18+$0x10010];
	[tilespmem:s1+$0x40A0] =	vst v5;
	v3 =	vadd.f32 v3, v8  }
0x98: {  	v8 =	vld [tilespmem:s18+$0x10020];
	[tilespmem:s1+$0x40B0] =	vst v4;
	v2 =	vadd.f32 v2, v9  }
0x99: {  	v9 =	vld [tilespmem:s18+$0x10030];
	[tilespmem:s1+$0x40C0] =	vst v3;
	v1 =	vadd.f32 v1, v10  }
0x9a: {  	v10 =	vld [tilespmem:s18+$0x10040];
	[tilespmem:s1+$0x40D0] =	vst v2;
	v0 =	vadd.f32 v0, v7  }
0x9b: {  	v7 =	vld [tilespmem:s18+$0x10050];
	[tilespmem:s1+$0x40E0] =	vst v1  }
0x9c: {  	v11 =	vld [tilespmem:s18+$0x10060];
	[tilespmem:s1+$0x40F0] =	vst v0;
	s1 =	smov.u32 s18  }
0x9d: {  	v13 =	vld [tilespmem:s1+$0x10070]  }
0x9e: {  	v14 =	vld [tilespmem:s1+$0x10080]  }
0x9f: {  	v15 =	vld [tilespmem:s1+$0x10090]  }
0xa0: {  	v5 =	vld [tilespmem:s1+$0x100A0]  }
0xa1: {  	v4 =	vld [tilespmem:s1+$0x100B0]  }
0xa2: {  	v3 =	vld [tilespmem:s1+$0x100C0]  }
0xa3: {  	v2 =	vld [tilespmem:s1+$0x100D0]  }
0xa4: {  	v1 =	vld [tilespmem:s1+$0x100E0]  }
0xa5: {  	v0 =	vld [tilespmem:s1+$0x100F0]  }
0xa6: {  	v16 =	vld [tilespmem:s1+$0x4000]  }
0xa7: {  	v17 =	vld [tilespmem:s1+$0x4010]  }
0xa8: {  	v18 =	vld [tilespmem:s1+$0x4020]  }
0xa9: {  	v19 =	vld [tilespmem:s1+$0x4030]  }
0xaa: {  	v20 =	vld [tilespmem:s1+$0x4040]  }
0xab: {  	v12 =	vadd.f32 v12, v16;
	v16 =	vld [tilespmem:s1+$0x4050]  }
0xac: {  	v6 =	vadd.f32 v6, v17;
	v17 =	vld [tilespmem:s1+$0x4060]  }
0xad: {  	[tilespmem:s1+$0x4000] =	vst v12;
	v8 =	vadd.f32 v8, v18;
	v12 =	vld [tilespmem:s1+$0x4070]  }
0xae: {  	[tilespmem:s1+$0x4010] =	vst v6;
	v6 =	vadd.f32 v9, v19;
	v9 =	vld [tilespmem:s1+$0x4080]  }
0xaf: {  	[tilespmem:s1+$0x4020] =	vst v8;
	v8 =	vadd.f32 v10, v20;
	v10 =	vld [tilespmem:s1+$0x4090]  }
.Ltmp1:
0xb0: {  	[tilespmem:s1+$0x4030] =	vst v6;
	v16 =	vadd.f32 v7, v16;
	v7 =	vld [tilespmem:s1+$0x40A0];
	(pc) =	sbr.rel @p0 .LBB2_4-.Ltmp1, $4  }
0xb1: {  	[tilespmem:s1+$0x4040] =	vst v8;
	v11 =	vadd.f32 v11, v17;
	v6 =	vld [tilespmem:s1+$0x40B0]  }
0xb2: {  	[tilespmem:s1+$0x4050] =	vst v16;
	v13 =	vadd.f32 v13, v12;
	v8 =	vld [tilespmem:s1+$0x40C0]  }
0xb3: {  	[tilespmem:s1+$0x4060] =	vst v11;
	v12 =	vadd.f32 v14, v9;
	v9 =	vld [tilespmem:s1+$0x40D0]  }
0xb4: {  	s0 =	sadd.s32 $0x400, s0;
	[tilespmem:s1+$0x4070] =	vst v13;
	v11 =	vadd.f32 v15, v10;
	v10 =	vld [tilespmem:s1+$0x40E0]  }
0xb5: {  	[tilespmem:s1+$0x4080] =	vst v12;
	v5 =	vadd.f32 v5, v7;
	v7 =	vld [tilespmem:s1+$0x40F0]  }
0xb6: {  	[tilespmem:s1+$0x4090] =	vst v11;
	v4 =	vadd.f32 v4, v6  }
0xb7: {  	[tilespmem:s1+$0x40A0] =	vst v5;
	v3 =	vadd.f32 v3, v8  }
0xb8: {  	[tilespmem:s1+$0x40B0] =	vst v4;
	v2 =	vadd.f32 v2, v9  }
0xb9: {  	[tilespmem:s1+$0x40C0] =	vst v3;
	v1 =	vadd.f32 v1, v10  }
0xba: {  	[tilespmem:s1+$0x40D0] =	vst v2;
	v0 =	vadd.f32 v0, v7  }
0xbb: {  	[tilespmem:s1+$0x40E0] =	vst v1  }
0xbc: {  	s0 =	simm.s32 $0x0;
	[tilespmem:s1+$0x40F0] =	vst v0  }
0xbd: {  	[hbm4b:s12+s0] =	stream.linear.scatter [tilespmem:s17], [sflag:$0x8], $0x4000, $0x38;
	[tilespmem:$0x18000] =	vst v63  }
0xbe: {  	_ =	swait.ge [sflag:s26], $0x4000  }
0xbf: {  	[sflag:s26] =	ssyncset.done $0x0  }
0xc0: {  	[sflag:s26] =	ssyncadd.s32 $0xFFFFC000  }
0xc1: {  	_ =	swait.ge [sflag:s28], $0x4000  }
0xc2: {  	[sflag:s28] =	ssyncset.done $0x0  }
0xc3: {  	s1 =	simm.s32 $0x0;
	[sflag:s28] =	ssyncadd.s32 $0xFFFFC000  }
0xc4: {  	v6 =	vld [tilespmem:s1+$0x14000]  }
0xc5: {  	v7 =	vld [tilespmem:s1+$0x14010]  }
0xc6: {  	v8 =	vld [tilespmem:s1+$0x14020]  }
0xc7: {  	v9 =	vld [tilespmem:s1+$0x14030]  }
0xc8: {  	v10 =	vld [tilespmem:s1+$0x14040]  }
0xc9: {  	v11 =	vld [tilespmem:s1+$0x14050]  }
0xca: {  	v12 =	vld [tilespmem:s1+$0x14060]  }
0xcb: {  	v13 =	vld [tilespmem:s1+$0x14070]  }
0xcc: {  	v14 =	vld [tilespmem:s1+$0x14080]  }
0xcd: {  	v15 =	vld [tilespmem:s1+$0x14090]  }
0xce: {  	v5 =	vld [tilespmem:s1+$0x140A0]  }
0xcf: {  	v4 =	vld [tilespmem:s1+$0x140B0]  }
0xd0: {  	v3 =	vld [tilespmem:s1+$0x140C0]  }
0xd1: {  	v2 =	vld [tilespmem:s1+$0x140D0]  }
0xd2: {  	v1 =	vld [tilespmem:s1+$0x140E0]  }
0xd3: {  	v0 =	vld [tilespmem:s1+$0x140F0]  }
0xd4: {  	v16 =	vld [tilespmem:s1+$0x8000]  }
0xd5: {  	v17 =	vld [tilespmem:s1+$0x8010]  }
0xd6: {  	v18 =	vld [tilespmem:s1+$0x8020]  }
0xd7: {  	v19 =	vld [tilespmem:s1+$0x8030]  }
0xd8: {  	v20 =	vld [tilespmem:s1+$0x8040]  }
0xd9: {  	v60 =	vld [tilespmem:s1+$0x8050];
	v6 =	vadd.f32 v6, v16  }
0xda: {  	v21 =	vld [tilespmem:s1+$0x8060];
	v7 =	vadd.f32 v7, v17  }
0xdb: {  	v61 =	vld [tilespmem:s1+$0x8070];
	[tilespmem:s1+$0x8000] =	vst v6;
	v6 =	vadd.f32 v8, v18  }
0xdc: {  	v62 =	vld [tilespmem:s1+$0x8080];
	[tilespmem:s1+$0x8010] =	vst v7;
	v7 =	vadd.f32 v9, v19  }
0xdd: {  	v63 =	vld [tilespmem:s1+$0x8090];
	[tilespmem:s1+$0x8020] =	vst v6;
	v6 =	vadd.f32 v10, v20  }
0xde: {  	v8 =	vadd.f32 v11, v60;
	[tilespmem:s1+$0x8030] =	vst v7;
	v7 =	vld [tilespmem:s1+$0x80A0]  }
0xdf: {  	v9 =	vadd.f32 v12, v21;
	[tilespmem:s1+$0x8040] =	vst v6;
	v6 =	vld [tilespmem:s1+$0x80B0]  }
0xe0: {  	[tilespmem:s1+$0x8050] =	vst v8;
	v8 =	vld [tilespmem:s1+$0x80C0];
	v10 =	vadd.f32 v13, v61  }
0xe1: {  	v12 =	vadd.f32 v14, v62;
	[tilespmem:s1+$0x8060] =	vst v9;
	v9 =	vld [tilespmem:s1+$0x80D0]  }
0xe2: {  	s0 =	simm.s32 $0x400;
	v11 =	vadd.f32 v15, v63;
	[tilespmem:s1+$0x8070] =	vst v10;
	v10 =	vld [tilespmem:s1+$0x80E0]  }
.LBB2_6:
0xe3: {  	s18 =	sshra.s32 s0, $0x2;
	p0 =	sne.s32 s0, $0xFC00;
	[tilespmem:s1+$0x8080] =	vst v12;
	v5 =	vadd.f32 v5, v7;
	v7 =	vld [tilespmem:s1+$0x80F0]  }
0xe4: {  	v12 =	vld [tilespmem:s18+$0x14000];
	[tilespmem:s1+$0x8090] =	vst v11;
	v4 =	vadd.f32 v4, v6  }
0xe5: {  	v6 =	vld [tilespmem:s18+$0x14010];
	[tilespmem:s1+$0x80A0] =	vst v5;
	v3 =	vadd.f32 v3, v8  }
0xe6: {  	v8 =	vld [tilespmem:s18+$0x14020];
	[tilespmem:s1+$0x80B0] =	vst v4;
	v2 =	vadd.f32 v2, v9  }
0xe7: {  	v9 =	vld [tilespmem:s18+$0x14030];
	[tilespmem:s1+$0x80C0] =	vst v3;
	v1 =	vadd.f32 v1, v10  }
0xe8: {  	v10 =	vld [tilespmem:s18+$0x14040];
	[tilespmem:s1+$0x80D0] =	vst v2;
	v0 =	vadd.f32 v0, v7  }
0xe9: {  	v7 =	vld [tilespmem:s18+$0x14050];
	[tilespmem:s1+$0x80E0] =	vst v1  }
0xea: {  	v11 =	vld [tilespmem:s18+$0x14060];
	[tilespmem:s1+$0x80F0] =	vst v0;
	s1 =	smov.u32 s18  }
0xeb: {  	v13 =	vld [tilespmem:s1+$0x14070]  }
0xec: {  	v14 =	vld [tilespmem:s1+$0x14080]  }
0xed: {  	v15 =	vld [tilespmem:s1+$0x14090]  }
0xee: {  	v5 =	vld [tilespmem:s1+$0x140A0]  }
0xef: {  	v4 =	vld [tilespmem:s1+$0x140B0]  }
0xf0: {  	v3 =	vld [tilespmem:s1+$0x140C0]  }
0xf1: {  	v2 =	vld [tilespmem:s1+$0x140D0]  }
0xf2: {  	v1 =	vld [tilespmem:s1+$0x140E0]  }
0xf3: {  	v0 =	vld [tilespmem:s1+$0x140F0]  }
0xf4: {  	v16 =	vld [tilespmem:s1+$0x8000]  }
0xf5: {  	v17 =	vld [tilespmem:s1+$0x8010]  }
0xf6: {  	v18 =	vld [tilespmem:s1+$0x8020]  }
0xf7: {  	v19 =	vld [tilespmem:s1+$0x8030]  }
0xf8: {  	v20 =	vld [tilespmem:s1+$0x8040]  }
0xf9: {  	v12 =	vadd.f32 v12, v16;
	v16 =	vld [tilespmem:s1+$0x8050]  }
0xfa: {  	v6 =	vadd.f32 v6, v17;
	v17 =	vld [tilespmem:s1+$0x8060]  }
0xfb: {  	[tilespmem:s1+$0x8000] =	vst v12;
	v8 =	vadd.f32 v8, v18;
	v12 =	vld [tilespmem:s1+$0x8070]  }
0xfc: {  	[tilespmem:s1+$0x8010] =	vst v6;
	v6 =	vadd.f32 v9, v19;
	v9 =	vld [tilespmem:s1+$0x8080]  }
0xfd: {  	[tilespmem:s1+$0x8020] =	vst v8;
	v8 =	vadd.f32 v10, v20;
	v10 =	vld [tilespmem:s1+$0x8090]  }
.Ltmp2:
0xfe: {  	[tilespmem:s1+$0x8030] =	vst v6;
	v16 =	vadd.f32 v7, v16;
	v7 =	vld [tilespmem:s1+$0x80A0];
	(pc) =	sbr.rel @p0 .LBB2_6-.Ltmp2, $4  }
0xff: {  	[tilespmem:s1+$0x8040] =	vst v8;
	v11 =	vadd.f32 v11, v17;
	v6 =	vld [tilespmem:s1+$0x80B0]  }
0x100: {  	[tilespmem:s1+$0x8050] =	vst v16;
	v13 =	vadd.f32 v13, v12;
	v8 =	vld [tilespmem:s1+$0x80C0]  }
0x101: {  	[tilespmem:s1+$0x8060] =	vst v11;
	v12 =	vadd.f32 v14, v9;
	v9 =	vld [tilespmem:s1+$0x80D0]  }
0x102: {  	s0 =	sadd.s32 $0x400, s0;
	[tilespmem:s1+$0x8070] =	vst v13;
	v11 =	vadd.f32 v15, v10;
	v10 =	vld [tilespmem:s1+$0x80E0]  }
0x103: {  	[tilespmem:s1+$0x8080] =	vst v12;
	v5 =	vadd.f32 v5, v7;
	v7 =	vld [tilespmem:s1+$0x80F0]  }
0x104: {  	[tilespmem:s1+$0x8090] =	vst v11;
	v4 =	vadd.f32 v4, v6  }
0x105: {  	[tilespmem:s1+$0x80A0] =	vst v5;
	v3 =	vadd.f32 v3, v8  }
0x106: {  	[tilespmem:s1+$0x80B0] =	vst v4;
	v2 =	vadd.f32 v2, v9  }
0x107: {  	[tilespmem:s1+$0x80C0] =	vst v3;
	v1 =	vadd.f32 v1, v10  }
0x108: {  	[tilespmem:s1+$0x80D0] =	vst v2;
	v0 =	vadd.f32 v0, v7  }
0x109: {  	[tilespmem:s1+$0x80E0] =	vst v1  }
0x10a: {  	s0 =	simm.s32 $0x0;
	[tilespmem:s1+$0x80F0] =	vst v0  }
0x10b: {  	[hbm4b:s13+s0] =	stream.linear.scatter [tilespmem:s21], [sflag:$0x9], $0x4000, $0x38;
	[tilespmem:$0x18000] =	vst v63  }
0x10c: {  	_ =	swait.ge [sflag:s19], $0x4000  }
0x10d: {  	[sflag:s19] =	ssyncset.done $0x0  }
0x10e: {  	[sflag:s19] =	ssyncadd.s32 $0xFFFFC000  }
0x10f: {  	_ =	swait.ge [sflag:s20], $0x4000  }
0x110: {  	[sflag:s20] =	ssyncset.done $0x0  }
0x111: {  	s1 =	simm.s32 $0x0;
	[sflag:s20] =	ssyncadd.s32 $0xFFFFC000  }
0x112: {  	v6 =	vld [tilespmem:s1+$0xC000]  }
0x113: {  	v7 =	vld [tilespmem:s1+$0xC010]  }
0x114: {  	v8 =	vld [tilespmem:s1+$0xC020]  }
0x115: {  	v9 =	vld [tilespmem:s1+$0xC030]  }
0x116: {  	v10 =	vld [tilespmem:s1+$0xC040]  }
0x117: {  	v11 =	vld [tilespmem:s1+$0xC050]  }
0x118: {  	v12 =	vld [tilespmem:s1+$0xC060]  }
0x119: {  	v13 =	vld [tilespmem:s1+$0xC070]  }
0x11a: {  	v14 =	vld [tilespmem:s1+$0xC080]  }
0x11b: {  	v15 =	vld [tilespmem:s1+$0xC090]  }
0x11c: {  	v5 =	vld [tilespmem:s1+$0xC0A0]  }
0x11d: {  	v4 =	vld [tilespmem:s1+$0xC0B0]  }
0x11e: {  	v3 =	vld [tilespmem:s1+$0xC0C0]  }
0x11f: {  	v2 =	vld [tilespmem:s1+$0xC0D0]  }
0x120: {  	v1 =	vld [tilespmem:s1+$0xC0E0]  }
0x121: {  	v0 =	vld [tilespmem:s1+$0xC0F0]  }
0x122: {  	v16 =	vld [tilespmem:s1+$0x0]  }
0x123: {  	v17 =	vld [tilespmem:s1+$0x10]  }
0x124: {  	v18 =	vld [tilespmem:s1+$0x20]  }
0x125: {  	v19 =	vld [tilespmem:s1+$0x30]  }
0x126: {  	v20 =	vld [tilespmem:s1+$0x40]  }
0x127: {  	v60 =	vld [tilespmem:s1+$0x50];
	v6 =	vadd.f32 v6, v16  }
0x128: {  	v21 =	vld [tilespmem:s1+$0x60];
	v7 =	vadd.f32 v7, v17  }
0x129: {  	v61 =	vld [tilespmem:s1+$0x70];
	[tilespmem:s1+$0x0] =	vst v6;
	v6 =	vadd.f32 v8, v18  }
0x12a: {  	v62 =	vld [tilespmem:s1+$0x80];
	[tilespmem:s1+$0x10] =	vst v7;
	v7 =	vadd.f32 v9, v19  }
0x12b: {  	v63 =	vld [tilespmem:s1+$0x90];
	[tilespmem:s1+$0x20] =	vst v6;
	v6 =	vadd.f32 v10, v20  }
0x12c: {  	v8 =	vadd.f32 v11, v60;
	[tilespmem:s1+$0x30] =	vst v7;
	v7 =	vld [tilespmem:s1+$0xA0]  }
0x12d: {  	v9 =	vadd.f32 v12, v21;
	[tilespmem:s1+$0x40] =	vst v6;
	v6 =	vld [tilespmem:s1+$0xB0]  }
0x12e: {  	[tilespmem:s1+$0x50] =	vst v8;
	v8 =	vld [tilespmem:s1+$0xC0];
	v10 =	vadd.f32 v13, v61  }
0x12f: {  	v12 =	vadd.f32 v14, v62;
	[tilespmem:s1+$0x60] =	vst v9;
	v9 =	vld [tilespmem:s1+$0xD0]  }
0x130: {  	s0 =	simm.s32 $0x400;
	v11 =	vadd.f32 v15, v63;
	[tilespmem:s1+$0x70] =	vst v10;
	v10 =	vld [tilespmem:s1+$0xE0]  }
.LBB2_8:
0x131: {  	s18 =	sshra.s32 s0, $0x2;
	p0 =	sne.s32 s0, $0xFC00;
	[tilespmem:s1+$0x80] =	vst v12;
	v5 =	vadd.f32 v5, v7;
	v7 =	vld [tilespmem:s1+$0xF0]  }
0x132: {  	v12 =	vld [tilespmem:s18+$0xC000];
	[tilespmem:s1+$0x90] =	vst v11;
	v4 =	vadd.f32 v4, v6  }
0x133: {  	v6 =	vld [tilespmem:s18+$0xC010];
	[tilespmem:s1+$0xA0] =	vst v5;
	v3 =	vadd.f32 v3, v8  }
0x134: {  	v8 =	vld [tilespmem:s18+$0xC020];
	[tilespmem:s1+$0xB0] =	vst v4;
	v2 =	vadd.f32 v2, v9  }
0x135: {  	v9 =	vld [tilespmem:s18+$0xC030];
	[tilespmem:s1+$0xC0] =	vst v3;
	v1 =	vadd.f32 v1, v10  }
0x136: {  	v10 =	vld [tilespmem:s18+$0xC040];
	[tilespmem:s1+$0xD0] =	vst v2;
	v0 =	vadd.f32 v0, v7  }
0x137: {  	v7 =	vld [tilespmem:s18+$0xC050];
	[tilespmem:s1+$0xE0] =	vst v1  }
0x138: {  	v11 =	vld [tilespmem:s18+$0xC060];
	[tilespmem:s1+$0xF0] =	vst v0;
	s1 =	smov.u32 s18  }
0x139: {  	v13 =	vld [tilespmem:s1+$0xC070]  }
0x13a: {  	v14 =	vld [tilespmem:s1+$0xC080]  }
0x13b: {  	v15 =	vld [tilespmem:s1+$0xC090]  }
0x13c: {  	v5 =	vld [tilespmem:s1+$0xC0A0]  }
0x13d: {  	v4 =	vld [tilespmem:s1+$0xC0B0]  }
0x13e: {  	v3 =	vld [tilespmem:s1+$0xC0C0]  }
0x13f: {  	v2 =	vld [tilespmem:s1+$0xC0D0]  }
0x140: {  	v1 =	vld [tilespmem:s1+$0xC0E0]  }
0x141: {  	v0 =	vld [tilespmem:s1+$0xC0F0]  }
0x142: {  	v16 =	vld [tilespmem:s1+$0x0]  }
0x143: {  	v17 =	vld [tilespmem:s1+$0x10]  }
0x144: {  	v18 =	vld [tilespmem:s1+$0x20]  }
0x145: {  	v19 =	vld [tilespmem:s1+$0x30]  }
0x146: {  	v20 =	vld [tilespmem:s1+$0x40]  }
0x147: {  	v12 =	vadd.f32 v12, v16;
	v16 =	vld [tilespmem:s1+$0x50]  }
0x148: {  	v6 =	vadd.f32 v6, v17;
	v17 =	vld [tilespmem:s1+$0x60]  }
0x149: {  	[tilespmem:s1+$0x0] =	vst v12;
	v8 =	vadd.f32 v8, v18;
	v12 =	vld [tilespmem:s1+$0x70]  }
0x14a: {  	[tilespmem:s1+$0x10] =	vst v6;
	v6 =	vadd.f32 v9, v19;
	v9 =	vld [tilespmem:s1+$0x80]  }
0x14b: {  	[tilespmem:s1+$0x20] =	vst v8;
	v8 =	vadd.f32 v10, v20;
	v10 =	vld [tilespmem:s1+$0x90]  }
.Ltmp3:
0x14c: {  	[tilespmem:s1+$0x30] =	vst v6;
	v16 =	vadd.f32 v7, v16;
	v7 =	vld [tilespmem:s1+$0xA0];
	(pc) =	sbr.rel @p0 .LBB2_8-.Ltmp3, $4  }
0x14d: {  	[tilespmem:s1+$0x40] =	vst v8;
	v11 =	vadd.f32 v11, v17;
	v6 =	vld [tilespmem:s1+$0xB0]  }
0x14e: {  	[tilespmem:s1+$0x50] =	vst v16;
	v13 =	vadd.f32 v13, v12;
	v8 =	vld [tilespmem:s1+$0xC0]  }
0x14f: {  	[tilespmem:s1+$0x60] =	vst v11;
	v12 =	vadd.f32 v14, v9;
	v9 =	vld [tilespmem:s1+$0xD0]  }
0x150: {  	s0 =	sadd.s32 $0x400, s0;
	[tilespmem:s1+$0x70] =	vst v13;
	v11 =	vadd.f32 v15, v10;
	v10 =	vld [tilespmem:s1+$0xE0]  }
0x151: {  	[tilespmem:s1+$0x80] =	vst v12;
	v5 =	vadd.f32 v5, v7;
	v63 =	vld [tilespmem:s1+$0xF0]  }
0x152: {  	[tilespmem:s1+$0x90] =	vst v11;
	v4 =	vadd.f32 v4, v6  }
0x153: {  	[tilespmem:s1+$0xA0] =	vst v5;
	v3 =	vadd.f32 v3, v8  }
0x154: {  	[tilespmem:s1+$0xB0] =	vst v4;
	v2 =	vadd.f32 v2, v9  }
0x155: {  	[tilespmem:s1+$0xC0] =	vst v3;
	v1 =	vadd.f32 v1, v10  }
0x156: {  	[tilespmem:s1+$0xD0] =	vst v2;
	v0 =	vadd.f32 v0, v63  }
0x157: {  	[tilespmem:s1+$0xE0] =	vst v1  }
0x158: {  	[tilespmem:s1+$0xF0] =	vst v0  }
0x159: {  	[hbm4b:s14+s2] =	stream.linear.scatter [tilespmem:s2], [sflag:$0x7], $0x4000, $0x38;
	[tilespmem:$0x18000] =	vst v63  }
0x15a: {  	_ =	swait.ge [sflag:s29], $0x4000  }
0x15b: {  	[sflag:s29] =	ssyncset.done $0x0  }
0x15c: {  	s31 =	sadd.s32 $0x1, s31;
	[sflag:s29] =	ssyncadd.s32 $0xFFFFC000  }
0x15d: {  	p0 =	sne.s32 s31, s15;
	_ =	swait.ge [sflag:s30], $0x4000  }
.Ltmp4:
0x15e: {  	[sflag:s30] =	ssyncset.done $0x0;
	(pc) =	sbr.rel @p0 .LBB2_1-.Ltmp4, $4  }
0x15f: {  	[sflag:s30] =	ssyncadd.s32 $0xFFFFC000  }
0x160: {  	_ =	swait.ge [sflag:s25], $0x4000  }
0x161: {  	[sflag:s25] =	ssyncset.done $0x0  }
0x162: {  	[sflag:s25] =	ssyncadd.s32 $0xFFFFC000  }
0x163: {  	_ =	sfence.sel $0x180000  }
0x164: {  	[bflag:$0x0] =	sbarrier.arrive $0xFFFF  }
0x165: {  	_ =	strace $0x9000004A  }
0x166: {  	s0 =	stileid.u32;
	[bflag:$0x2] =	sbarrier.arrive $0xFFFF  }
0x167: {  	p0 =	sne.s32 s0, $0x0;
	s0 =	rddreg [dreg:$0x1]  }
0x168: {  	s0 =	sadd.s32 @!p0 $0x100000, s0  }
0x169: {  	[sflag:s0] =	ssyncadd.tile.s32 @!p0 $0x1;
	_ =	shalt  }
.Lfunc_end2:
_tile_overlayer_lowered:
.L_overlay_start_2:
0x16a: {  	(tag) =	ssettag $0x2  }
0x16b: {  	s0 =	rddreg [dreg:$0x0];
	s2 =	stileid.u32  }
0x16c: {  	s1 =	rddreg [dreg:$0x1];
	p0 =	sne.s32 s2, $0x0  }
0x16d: {  	s3 =	rddreg [dreg:$0x2];
	[bflag:$0x3] =	sbarrier.arrive $0xFFFF;
	s2 =	simm.s32 @!p0 $0x1C0A  }
0x16e: {  	[timem:s3], [sflag:s2] =	dma.local @!p0 [hbm:s0], s1  }
0x16f: {  	s0 =	simm.s32 @!p0 $0xA  }
0x170: {  	_ =	swait.ge @!p0 [sflag:s0], s1  }
0x171: {  	s1 =	ssub.s32 @!p0 $0x0, s1;
	[sflag:s0] =	ssyncset.done @!p0 $0x0  }
0x172: {  	[sflag:s0] =	ssyncadd.s32 @!p0 s1  }
0x173: {  	[bflag:$0x3] =	sbarrier.arrive $0xFFFF  }
0x174: {  	_ =	shalt  }

// kernel: sparse-core-data-format-call.cloned.1.call-start
scs
called_computation_lowered:
.L_overlay_start_0:
0x0: {  	s2 =	sld [smem:$0x3FD9]  }
0x1: {  	s3 =	sld [smem:$0x3FFE];
	_ =	sdelay $0x1  }
0x2: {  	s1 =	srdreg.scid  }
0x3: {  	s0 =	sand.u32 $0x1, s1  }
0x4: {  	s18 =	sshll.u32 s0, $0xA;
	s2 =	sadd.s32 s3, s2  }
0x5: {  	s2 =	sadd.s32 s2, s18  }
0x6: {  	[smem:$0x3FC6] =	sst s2  }
0x7: {  	_ = 	snop  }
0x8: {  	s2 =	sld [smem:$0x3FC9];
	(tm) =	ssettm $0x1  }
0x9: {  	s19 =	sld [smem:$0x3FFB];
	_ =	sdelay $0x3  }
0xa: {  	_ =	strace s19  }
0xb: {  	s3 =	sld [smem:$0x3FFC];
	_ =	sdelay $0x3  }
0xc: {  	_ =	strace s3  }
0xd: {  	s3 =	sld [smem:$0x3FFD];
	_ =	sdelay $0x3  }
0xe: {  	_ =	strace s3  }
0xf: {  	_ =	strace $0x8FFFFFFF  }
0x10: {  	s20 =	sld [smem:$0x3FDB];
	_ =	sdelay $0x1  }
0x11: {  	s4 =	simm.s32 $_scs_section_size  }
0x12: {  	s5 =	simm.s32 $_size__tile_overlayer_lowered;
	s6 =	simm.s32 $_tile_overlayer_lowered  }
0x13: {  	s23 =	simm.s32 $0x1BFF;
	s22 =	sshll.u32 s6, $0x1;
	s3 =	sadd.s32 s4, s20  }
0x14: {  	s7 =	simm.s32 $0x0;
	s21 =	sshll.u32 s5, $0x1;
	s5 =	sadd.s32 s22, s3  }
0x15: {  	[timem:s7], [sflag:s23] =	dma.local [hbm:s5], s21  }
0x16: {  	_ =	swait.ge [sflag:s23], s21  }
0x17: {  	s4 =	ssub.s32 $0x0, s21;
	[sflag:s23] =	ssyncset.done $0x0  }
0x18: {  	[sflag:s23] =	ssyncadd.s32 s4;
	_ =	sdelay $0x1  }
0x19: {  	s24 =	simm.s32 $0x1B8B  }
0x1a: {  	_ =	swait.ge [sflag:s24], $0x1  }
0x1b: {  	[sflag:s24] =	ssyncset.done $0x0  }
0x1c: {  	s26 =	simm.s32 $0x1B8E;
	s25 =	sld [smem:$0x3FFE];
	[sflag:s24] =	ssyncadd.s32 $0xFFFFFFFF  }
0x1d: {  	s27 =	simm.s32 $execute0_lowered;
	[smem:$0x3FD2] =	sst s26  }
0x1e: {  	s5 =	sshll.u32 s27, $0x1;
	_ =	strace $0x80000046;
	[dreg:$0x1] =	wrdreg $0xFFFFFFFF  }
0x1f: {  	s28 =	simm.s32 $_size_execute0_lowered;
	s3 =	sadd.s32 s3, s5;
	[dreg:$0x0] =	wrdreg $0x0  }
0x20: {  	s5 =	sshll.u32 s28, $0x1;
	[dreg:$0x2] =	wrdreg s3  }
0x21: {  	[dreg:$0x3] =	wrdreg s5  }
0x22: {  	[dreg:$0x4] =	wrdreg $0xC0  }
0x23: {  	_ =	task [dreg:s7], $0x5FFFF  }
0x24: {  	[dreg:$0x1] =	wrdreg $0xFFFFFFFF  }
0x25: {  	[dreg:$0x0] =	wrdreg $0x60  }
0x26: {  	[dreg:$0x2] =	wrdreg s2  }
0x27: {  	[dreg:$0x3] =	wrdreg s25  }
0x28: {  	[dreg:$0x4] =	wrdreg $0x9  }
0x29: {  	_ =	task.clear_ibuf [dreg:s7], $0x5FFFF;
	_ =	strace $0x90000046  }
0x2a: {  	s29 =	simm.s32 $0x9;
	_ =	strace $0x80000048  }
0x2b: {  	_ =	swait.ge [sflag:s29], $0x1  }
0x2c: {  	[sflag:s29] =	ssyncadd.s32 $0xFFFFFFFF  }
0x2d: {  	_ =	strace $0x90000048  }
0x2e: {  	_ =	sfence  }
0x2f: {  	s30 =	sld [smem:$0x0];
	_ =	sdelay $0x2  }
0x30: {  	s31 =	sshll.u32 s1, $0xD;
	s1 =	sshrl.u32 s1, $0x2  }
0x31: {  	s3 =	sand.u32 $0x4000, s31;
	s1 =	sadd.s32 s1, s30  }
0x32: {  	s0 =	sor.u32 s3, s0;
	s1 =	sshll.u32 s1, $0x11  }
0x33: {  	s0 =	sor.u32 s1, s0  }
0x34: {  	s0 =	sadd.s32 $0x8F2B, s0  }
0x35: {  	[sflag:s0] =	ssyncadd.remote.s32 $0x1  }
0x36: {  	_ =	sfence.sel $0xFFFF  }
0x37: {  	[dreg:$0x0] =	wrdreg $0xFFFFFFFF;
	(pc) =	sbr.abs _section_cstart, $3  }
0x38: {  	[dreg:$0x1] =	wrdreg $0xFFFFFFFF  }
0x39: {  	_ =	task.clear_ibuf [dreg:s7], $0x2FFFF;
	_ =	strace $0x9FFFFFFF  }
0x3a: {  	(tm) =	ssettm $0x7FFFFFFF  }
0x3b: {  	_ =	shalt  }
tec
execute0_lowered:
.L_overlay_start_1:
0x0: {  	(tag) =	ssettag $0x1  }
0x1: {  	s0 =	srdreg.scid  }
0x2: {  	s1 =	sshll.u32 s0, $0x4  }
0x3: {  	s2 =	rddreg [dreg:$0x0];
	s0 =	stileid.u32;
	s1 =	sand.u32 $0x10, s1  }
0x4: {  	s4 =	rddreg [dreg:$0x1];
	s7 =	simm.s32 $0x1;
	s1 =	sor.u32 s0, s1  }
0x5: {  	s8 =	simm.s32 $0x2;
	s9 =	simm.s32 $0x0;
	s3 =	sshll.u32 s1, $0x1  }
0x6: {  	s12 =	simm.s32 $0x0;
	s11 =	simm.s32 $0x0;
	s6 =	ssub.s32 $0x800, s3  }
.Ltmp0:
0x7: {  	s4 =	sadd.s32 $0xA00, s4;
	s5 =	sand.u32 $0x3E, s6;
	(pc) =	sbr.rel .LBB1_1-.Ltmp0, $4  }
0x8: {  	s1 =	rddreg [dreg:$0x2];
	_ =	strace $0x80000047;
	p0 =	sne.s32 s5, $0x0  }
0x9: {  	s6 =	sshrl.u32 s6, $0x6;
	s5 =	simm.s32 $0x1;
	s7 =	simm.s32 @!p0 $0x0  }
0xa: {  	s10 =	smov.u32 s3;
	[sflag:s5] =	ssyncpa.u1 $0x0;
	s6 =	sadd.s32 s7, s6  }
0xb: {  	[sflag:s8] =	ssyncpa.u1 $0x0;
	s8 =	simm.s32 $0x0;
	s7 =	sadd.s32 $0x1, s6  }
.LBB1_9:
0xc: {  	s14 =	sadd.s32 $0x40, s10  }
0xd: {  	p1 =	sgt.s32 s14, $0x7FF  }
0xe: {  	s14 =	smov.u32 @p1 s3;
	p1 =	sne.s32 s11, s7  }
.Ltmp1:
0xf: {  	p0 =	slt.u32 s11, $0x2;
	(pc) =	sbr.rel @!p1 .LBB1_10-.Ltmp1, $4  }
0x10: {  	s13 =	simm.s32 @!p0 $0x2  }
0x11: {  	s15 =	sadd.s32 $0x1, s11;
	_ =	swait.ge @!p0 [sflag:s13], $0x4000  }
0x12: {  	s12 =	smov.u32 s10;
	s9 =	sadd.s32 $0x4000, s9;
	[sflag:s13] =	ssyncset.done @!p0 $0x0  }
0x13: {  	s11 =	smov.u32 s15;
	s10 =	smov.u32 s14;
	[sflag:s13] =	ssyncadd.s32 @!p0 $0xFFFFC000  }
.LBB1_1:
0x14: {  	p0 =	sge.u32 s11, s6  }
0x15: {  	s13 =	sxor.u32 @!p0 $0xFFFFFFFF, s11  }
0x16: {  	s31 =	sadd.s32 $0xFFFFFFFF, s11;
	s14 =	sshll.u32 @!p0 s10, $0xA;
	s13 =	sshll.u32 @!p0 s13, $0xE  }
0x17: {  	s15 =	simm.s32 @!p0 $0x0;
	s14 =	sadd.s32 @!p0 s2, s14;
	s13 =	sand.u32 @!p0 $0x4000, s13  }
0x18: {  	[tilespmem:s13], [sflag:$0x1] =	stream.linear.gather @!p0 [hbm4b:s14+s15], $0x4000, $0x38;
	[tilespmem:$0x10000] =	vst v63  }
0x19: {  	p0 =	sge.u32 s31, s6  }
.Ltmp2:
0x1a: {  	_ = 	snop;
	(pc) =	sbr.rel @p0 .LBB1_9-.Ltmp2, $1  }
0x1b: {  	_ =	sdelay $0x3  }
0x1c: {  	s13 =	sshll.u32 s9, $0x2  }
0x1d: {  	_ =	swait.ge [sflag:s5], $0x4000;
	s14 =	sshll.u32 s11, $0xE;
	s16 =	simm.s32 $0x0  }
0x1e: {  	p1 =	por $0x1, $0x1;
	s13 =	sand.u32 $0x10000, s13;
	[sflag:s5] =	ssyncset.done $0x0  }
0x1f: {  	s14 =	sand.u32 $0x4000, s14;
	s15 =	sshrl.u32 s13, $0x2;
	[sflag:s5] =	ssyncadd.s32 $0xFFFFC000  }
0x20: {  	s13 =	sor.u32 $0x8000, s14;
	s14 =	sadd.s32 $0x8040, s15;
	s15 =	sadd.s32 $0x40, s15  }
.LBB1_3:
0x21: {  	s16 =	sshll.u32 s16, $0x2  }
0x22: {  	p0 =	por p1, p1;
	s17 =	sshra.s32 s16, $0x2  }
0x23: {  	s18 =	simm.s32 $0x0;
	s16 =	sadd.s32 s17, s14;
	s17 =	sadd.s32 s17, s15  }
.LBB1_4:
0x24: {  	v0 =	vmov s17;
	_ =	sdelay $0x3  }
0x25: {  	s20 =	simm.s32 $0x0  }
0x26: {  	v6 =	vld.idx.msk [tilespmem:v0+s20+$0x30 ss:$0x1], $0xffff  }
0x27: {  	v7 =	vld.idx.msk [tilespmem:v0+s20+$0xFFFFFFC0 ss:$0x1], $0xffff  }
0x28: {  	v5 =	vld.idx.msk [tilespmem:v0+s20+$0xFFFFFFD0 ss:$0x1], $0xffff  }
0x29: {  	v4 =	vld.idx.msk [tilespmem:v0+s20+$0xFFFFFFE0 ss:$0x1], $0xffff  }
0x2a: {  	v3 =	vld.idx.msk [tilespmem:v0+s20+$0xFFFFFFF0 ss:$0x1], $0xffff  }
0x2b: {  	v1 =	vld.idx.msk [tilespmem:v0+s20+$0x0 ss:$0x1], $0xffff  }
0x2c: {  	v2 =	vld.idx.msk [tilespmem:v0+s20+$0x10 ss:$0x1], $0xffff;
	[tilespmem:s16+$0x30] =	vst v6  }
0x2d: {  	s19 =	simm.s32 $0x80;
	s21 =	simm.s32 $0x400;
	[tilespmem:s16+$0xFFFFFFC0] =	vst v7;
	v6 =	vld.idx.msk [tilespmem:v0+s20+$0x20 ss:$0x1], $0xffff;
	s20 =	smov.u32 s16  }
.LBB1_5:
0x2e: {  	p1 =	sne.s32 s21, $0xE00;
	v7 =	vld.idx.msk [tilespmem:v0+s19+$0x30 ss:$0x1], $0xffff;
	[tilespmem:s20+$0xFFFFFFD0] =	vst v5  }
0x2f: {  	v8 =	vld.idx.msk [tilespmem:v0+s19+$0xFFFFFFC0 ss:$0x1], $0xffff;
	[tilespmem:s20+$0xFFFFFFE0] =	vst v4  }
0x30: {  	v5 =	vld.idx.msk [tilespmem:v0+s19+$0xFFFFFFD0 ss:$0x1], $0xffff;
	[tilespmem:s20+$0xFFFFFFF0] =	vst v3  }
.Ltmp3:
0x31: {  	v4 =	vld.idx.msk [tilespmem:v0+s19+$0xFFFFFFE0 ss:$0x1], $0xffff;
	[tilespmem:s20+$0x0] =	vst v1;
	(pc) =	sbr.rel @p1 .LBB1_5-.Ltmp3, $4  }
0x32: {  	v3 =	vld.idx.msk [tilespmem:v0+s19+$0xFFFFFFF0 ss:$0x1], $0xffff;
	[tilespmem:s20+$0x10] =	vst v2  }
0x33: {  	v1 =	vld.idx.msk [tilespmem:v0+s19+$0x0 ss:$0x1], $0xffff;
	[tilespmem:s20+$0x20] =	vst v6;
	s20 =	sadd.s32 $0x400, s20  }
0x34: {  	v2 =	vld.idx.msk [tilespmem:v0+s19+$0x10 ss:$0x1], $0xffff;
	[tilespmem:s20+$0x30] =	vst v7  }
0x35: {  	[tilespmem:s20+$0xFFFFFFC0] =	vst v8;
	v6 =	vld.idx.msk [tilespmem:v0+s19+$0x20 ss:$0x1], $0xffff;
	s19 =	sshra.s32 s21, $0x2;
	s21 =	sadd.s32 $0x200, s21  }
0x36: {  	_ =	sdelay $0x2  }
0x37: {  	[tilespmem:s20+$0xFFFFFFD0] =	vst v5  }
0x38: {  	v56 =	vld.idx.msk [tilespmem:v0+s19+$0x30 ss:$0x1], $0xffff;
	[tilespmem:s20+$0xFFFFFFE0] =	vst v4  }
0x39: {  	v57 =	vld.idx.msk [tilespmem:v0+s19+$0xFFFFFFC0 ss:$0x1], $0xffff;
	[tilespmem:s20+$0xFFFFFFF0] =	vst v3  }
0x3a: {  	v58 =	vld.idx.msk [tilespmem:v0+s19+$0xFFFFFFD0 ss:$0x1], $0xffff;
	[tilespmem:s20+$0x0] =	vst v1  }
0x3b: {  	v59 =	vld.idx.msk [tilespmem:v0+s19+$0xFFFFFFE0 ss:$0x1], $0xffff;
	[tilespmem:s20+$0x10] =	vst v2  }
0x3c: {  	v60 =	vld.idx.msk [tilespmem:v0+s19+$0xFFFFFFF0 ss:$0x1], $0xffff;
	s31 =	sadd.s32 $0x400, s20;
	[tilespmem:s20+$0x20] =	vst v6  }
0x3d: {  	v61 =	vld.idx.msk [tilespmem:v0+s19+$0x0 ss:$0x1], $0xffff;
	[tilespmem:s31+$0x30] =	vst v56  }
0x3e: {  	v62 =	vld.idx.msk [tilespmem:v0+s19+$0x10 ss:$0x1], $0xffff;
	s18 =	sadd.s32 $0x1, s18;
	[tilespmem:s31+$0xFFFFFFC0] =	vst v57  }
0x3f: {  	v63 =	vld.idx.msk [tilespmem:v0+s19+$0x20 ss:$0x1], $0xffff;
	p1 =	sne.s32 s18, $0x8;
	[tilespmem:s31+$0xFFFFFFD0] =	vst v58  }
.Ltmp4:
0x40: {  	[tilespmem:s31+$0xFFFFFFE0] =	vst v59;
	(pc) =	sbr.rel @p1 .LBB1_4-.Ltmp4, $4  }
0x41: {  	[tilespmem:s31+$0xFFFFFFF0] =	vst v60  }
0x42: {  	[tilespmem:s31+$0x0] =	vst v61  }
0x43: {  	[tilespmem:s31+$0x10] =	vst v62  }
0x44: {  	s16 =	sadd.s32 $0x80, s16;
	s17 =	sadd.s32 $0x400, s17;
	[tilespmem:s31+$0x20] =	vst v63  }
.Ltmp5:
0x45: {  	(pc) =	sbr.rel @p0 .LBB1_3-.Ltmp5, $2  }
0x46: {  	_ =	sdelay $0x2  }
0x47: {  	s16 =	simm.s32 $0x2000;
	p1 =	por $0x0, $0x0  }
.Ltmp6:
0x48: {  	(pc) =	sbr.rel .LBB1_9-.Ltmp6, $4  }
0x49: {  	_ = 	snop  }
0x4a: {  	s12 =	sshll.u32 s12, $0xA  }
0x4b: {  	s12 =	sadd.s32 s4, s12  }
0x4c: {  	[hbm4b:s12+s8] =	stream.linear.scatter [tilespmem:s13], [sflag:$0x2], $0x4000, $0x38;
	[tilespmem:$0x10000] =	vst v63  }
.LBB1_10:
0x4d: {  	_ =	sfence.sel $0x180000  }
0x4e: {  	s2 =	simm.s32 $0x1;
	[bflag:$0x0] =	sbarrier.arrive $0xFFFF  }
0x4f: {  	s31 =	simm.s32 $0x2;
	[sflag:s2] =	ssyncpa.u1 $0x1  }
0x50: {  	[sflag:s31] =	ssyncpa.u1 $0x1  }
0x51: {  	p0 =	sne.s32 s0, $0x0;
	_ =	strace $0x90000047  }
0x52: {  	s0 =	sadd.s32 @!p0 $0x100000, s1;
	[bflag:$0x2] =	sbarrier.arrive $0xFFFF  }
0x53: {  	[sflag:s0] =	ssyncadd.tile.s32 @!p0 $0x1;
	_ =	shalt  }
.Lfunc_end1:
_tile_overlayer_lowered:
.L_overlay_start_2:
0x54: {  	(tag) =	ssettag $0x2  }
0x55: {  	s0 =	rddreg [dreg:$0x0];
	s2 =	stileid.u32  }
0x56: {  	s1 =	rddreg [dreg:$0x1];
	p0 =	sne.s32 s2, $0x0  }
0x57: {  	s3 =	rddreg [dreg:$0x2];
	[bflag:$0x3] =	sbarrier.arrive $0xFFFF;
	s2 =	simm.s32 @!p0 $0x1C01  }
0x58: {  	[timem:s3], [sflag:s2] =	dma.local @!p0 [hbm:s0], s1  }
0x59: {  	s0 =	simm.s32 @!p0 $0x1  }
0x5a: {  	_ =	swait.ge @!p0 [sflag:s0], s1  }
0x5b: {  	s1 =	ssub.s32 @!p0 $0x0, s1;
	[sflag:s0] =	ssyncset.done @!p0 $0x0  }
0x5c: {  	[sflag:s0] =	ssyncadd.s32 @!p0 s1  }
0x5d: {  	[bflag:$0x3] =	sbarrier.arrive $0xFFFF  }
0x5e: {  	_ =	shalt  }

</sc_bundles>
